<compile_context>
chip_gen: v7x
topology: tpu7x:2x2x1
jax: 0.10.2.dev20260603
libtpu: 0.0.44.dev20260713+nightly
codegen_flags: <defaults>
</compile_context>

<pallas_src>
import functools

import jax
import jax.numpy as jnp
import numpy as np
from jax import lax
from jax.experimental import pallas as pl
from jax.experimental.pallas import tpu as pltpu
from jax.experimental.pallas import tpu_sc as plsc

N = 10000
E = 320000
D = 128
DG = 16
NC = 2
NS = 16
NW = NC * NS
EPW = E // NW
C = 125
STEPS = EPW // C
SB = 10
NB = STEPS // SB
NPAD = 10112
RPT = NPAD // NS


def _make_segsum(with_deg):
  mesh = plsc.VectorSubcoreMesh(
      core_axis_name="c", subcore_axis_name="s", num_cores=NC, num_subcores=NS)

  acc_t = jax.ShapeDtypeStruct((NC, NPAD, D), jnp.float32)
  out_type = [acc_t, jax.ShapeDtypeStruct((NC, NPAD, DG), jnp.float32)
              ] if with_deg else acc_t
  scratch = [
      pltpu.VMEM((2, SB, C), jnp.int32),
      pltpu.VMEM((2, SB, C), jnp.int32),
      pltpu.VMEM((2, C, D), jnp.float32),
      pltpu.VMEM_SHARED((NPAD, D), jnp.float32),
      pltpu.SemaphoreType.DMA,
      pltpu.SemaphoreType.DMA,
      pltpu.SemaphoreType.DMA,
  ]
  if with_deg:
    scratch += [
        pltpu.VMEM((C, DG), jnp.float32),
        pltpu.VMEM_SHARED((NPAD, DG), jnp.float32),
        pltpu.SemaphoreType.DMA,
    ]

  @functools.partial(
      pl.kernel,
      mesh=mesh,
      out_type=out_type,
      scratch_types=scratch,
      compiler_params=pltpu.CompilerParams(use_tc_tiling_on_sc=False),
  )
  def seg(table, idx5, zeros, *rest):
    if with_deg:
      (ones, zeros_dg, out, out_dg, src_v, dst_v, rows_v, acc_sh,
       gsem0, gsem1, isem, ones_v, deg_sh, dsem) = rest
    else:
      out, src_v, dst_v, rows_v, acc_sh, gsem0, gsem1, isem = rest
    cid = lax.axis_index("c")
    sid = lax.axis_index("s")
    wid = cid * NS + sid
    pltpu.sync_copy(zeros, acc_sh.at[pl.ds(sid * RPT, RPT)])
    if with_deg:
      pltpu.sync_copy(zeros_dg, deg_sh.at[pl.ds(sid * RPT, RPT)])
      pltpu.sync_copy(ones, ones_v)
    pltpu.sync_copy(idx5.at[0, wid, 0], src_v.at[0])
    pltpu.sync_copy(idx5.at[1, wid, 0], dst_v.at[0])
    plsc.subcore_barrier()

    pltpu.async_copy(table.at[src_v.at[0, 0]], rows_v.at[0], gsem0)

    def scat(bp, j, buf, sem):
      pltpu.make_async_copy(table.at[src_v.at[bp, j]], rows_v.at[buf],
                            sem).wait()
      pltpu.sync_copy(rows_v.at[buf], acc_sh.at[dst_v.at[bp, j]], add=True)
      if with_deg:
        pltpu.async_copy(ones_v, deg_sh.at[dst_v.at[bp, j]], dsem, add=True)

    def drain_deg(n):
      def d(s, carry):
        pltpu.make_async_copy(ones_v, deg_sh.at[dst_v.at[0, 0]], dsem).wait()
        return carry
      lax.fori_loop(0, n, d, 0)

    def block(b, carry):
      bp = b % 2
      if with_deg:
        @pl.when(b > 0)
        def _():
          drain_deg(SB)

      @pl.when(b + 1 < NB)
      def _():
        pltpu.async_copy(idx5.at[0, wid, b + 1], src_v.at[1 - bp], isem)
        pltpu.async_copy(idx5.at[1, wid, b + 1], dst_v.at[1 - bp], isem)

      def pair(j, carry2):
        j0 = 2 * j
        j1 = j0 + 1
        pltpu.async_copy(table.at[src_v.at[bp, j1]], rows_v.at[1], gsem1)
        scat(bp, j0, 0, gsem0)

        @pl.when(j1 + 1 < SB)
        def _():
          pltpu.async_copy(table.at[src_v.at[bp, j0 + 2]], rows_v.at[0], gsem0)

        @pl.when((j1 + 1 >= SB) & (b + 1 < NB))
        def _():
          pltpu.make_async_copy(idx5.at[0, wid, b + 1], src_v.at[1 - bp],
                                isem).wait()
          pltpu.make_async_copy(idx5.at[1, wid, b + 1], dst_v.at[1 - bp],
                                isem).wait()
          pltpu.async_copy(table.at[src_v.at[1 - bp, 0]], rows_v.at[0], gsem0)

        scat(bp, j1, 1, gsem1)
        return carry2

      lax.fori_loop(0, SB // 2, pair, 0)
      return carry

    lax.fori_loop(0, NB, block, 0)
    if with_deg:
      drain_deg(SB)
    plsc.subcore_barrier()
    pltpu.sync_copy(acc_sh.at[pl.ds(sid * RPT, RPT)],
                    out.at[cid, pl.ds(sid * RPT, RPT)])
    if with_deg:
      pltpu.sync_copy(deg_sh.at[pl.ds(sid * RPT, RPT)],
                      out_dg.at[cid, pl.ds(sid * RPT, RPT)])

  return seg


_segsum_l1 = _make_segsum(True)
_segsum_l2 = _make_segsum(False)

_BN = 4096


def _deg_col(dg_ref):
  d = dg_ref[0] + dg_ref[1]
  dd = jnp.reshape(jnp.broadcast_to(d[:, None, :], (_BN // 8, 8, D)),
                   (_BN, D))
  rows = lax.broadcasted_iota(jnp.int32, (_BN, D), 0)
  lanes = lax.broadcasted_iota(jnp.int32, (_BN, D), 1)
  sel = lanes == (rows % 8) * DG
  return jnp.sum(jnp.where(sel, dd, 0.0), axis=1, keepdims=True)


def _dense1_body(acc_ref, dg_ref, x_ref, wl_ref, wr_ref, b_ref, h_ref):
  s = acc_ref[0] + acc_ref[1]
  dinv = 1.0 / jnp.maximum(_deg_col(dg_ref), 1.0)
  agg = s * dinv
  h = lax.dot_general(agg, wl_ref[...], (((1,), (1,)), ((), ())),
                      preferred_element_type=jnp.float32)
  h = h + lax.dot_general(x_ref[...], wr_ref[...], (((1,), (1,)), ((), ())),
                          preferred_element_type=jnp.float32)
  h = h + b_ref[...]
  h_ref[...] = jnp.maximum(h, 0.0)


def _dense2_body(acc_ref, dg_ref, h_ref, wl_ref, wr_ref, b_ref, o_ref):
  dinv = 1.0 / jnp.maximum(_deg_col(dg_ref), 1.0)
  agg = (acc_ref[0] + acc_ref[1]) * dinv
  o = lax.dot_general(agg, wl_ref[...], (((1,), (1,)), ((), ())),
                      preferred_element_type=jnp.float32)
  o = o + lax.dot_general(h_ref[...], wr_ref[...], (((1,), (1,)), ((), ())),
                          preferred_element_type=jnp.float32)
  o_ref[...] = o + b_ref[...]


def _dense1(acc, dg, x, wl, wr, b):
  grid = (pl.cdiv(N, _BN),)
  return pl.pallas_call(
      _dense1_body,
      grid=grid,
      in_specs=[
          pl.BlockSpec((NC, _BN, D), lambda i: (0, i, 0)),
          pl.BlockSpec((NC, _BN // 8, D), lambda i: (0, i, 0)),
          pl.BlockSpec((_BN, D), lambda i: (i, 0)),
          pl.BlockSpec((D, D), lambda i: (0, 0)),
          pl.BlockSpec((D, D), lambda i: (0, 0)),
          pl.BlockSpec((1, D), lambda i: (0, 0)),
      ],
      out_specs=pl.BlockSpec((_BN, D), lambda i: (i, 0)),
      out_shape=jax.ShapeDtypeStruct((N, D), jnp.float32),
  )(acc, dg, x, wl, wr, b)


def _dense2(acc, dg, h, wl, wr, b):
  grid = (pl.cdiv(N, _BN),)
  return pl.pallas_call(
      _dense2_body,
      grid=grid,
      in_specs=[
          pl.BlockSpec((NC, _BN, D), lambda i: (0, i, 0)),
          pl.BlockSpec((NC, _BN // 8, D), lambda i: (0, i, 0)),
          pl.BlockSpec((_BN, D), lambda i: (i, 0)),
          pl.BlockSpec((D, D), lambda i: (0, 0)),
          pl.BlockSpec((D, D), lambda i: (0, 0)),
          pl.BlockSpec((1, D), lambda i: (0, 0)),
      ],
      out_specs=pl.BlockSpec((_BN, D), lambda i: (i, 0)),
      out_shape=jax.ShapeDtypeStruct((N, D), jnp.float32),
  )(acc, dg, h, wl, wr, b)


_ZEROS_D = np.zeros((RPT, D), np.float32)
_ZEROS_DG = np.zeros((RPT, DG), np.float32)
_ONES_C = np.ones((C, DG), np.float32)


def kernel(x, edge_index, W1_l, W1_r, b1, W2_l, W2_r, b2):
  idx5 = edge_index.reshape(2, NW, NB, SB, C)
  acc1, dg = _segsum_l1(x, idx5, _ZEROS_D, _ONES_C, _ZEROS_DG)
  dgb = dg.reshape(NC, NPAD // 8, 8 * DG)
  h = _dense1(acc1, dgb, x, W1_l, W1_r, b1.reshape(1, D))
  acc2 = _segsum_l2(h, idx5, _ZEROS_D)
  out = _dense2(acc2, dgb, h, W2_l, W2_r, b2.reshape(1, D))
  return out

# --- scband reference (transcript-rebuilt; emitter-appended) ---
"""Pipeline reference for scband-sage-652835029798 (READ-ONLY COPY).

The authoritative reference and input builder live on the scoring server;
editing this copy changes nothing except your own understanding.
"""

import jax, jax.numpy as jnp
import numpy as np

N = 10000
E = 320000
D_IN = 128
D_H = 128
D_OUT = 128


def setup_inputs(seed: int = 0) -> dict:
    key = jax.random.key(seed)
    k1, k2, k3, k4, k5, k6, k7, k8 = jax.random.split(key, 8)
    x = jax.random.normal(k1, (N, D_IN), dtype=jnp.float32)
    edge_index = jax.random.randint(k2, (2, E), 0, N, dtype=jnp.int32)
    s1 = 1.0 / np.sqrt(D_IN)
    s2 = 1.0 / np.sqrt(D_H)
    W1_l = jax.random.uniform(k3, (D_H, D_IN), minval=-s1, maxval=s1, dtype=jnp.float32)
    W1_r = jax.random.uniform(k4, (D_H, D_IN), minval=-s1, maxval=s1, dtype=jnp.float32)
    b1 = jax.random.uniform(k5, (D_H,), minval=-s1, maxval=s1, dtype=jnp.float32)
    W2_l = jax.random.uniform(k6, (D_OUT, D_H), minval=-s2, maxval=s2, dtype=jnp.float32)
    W2_r = jax.random.uniform(k7, (D_OUT, D_H), minval=-s2, maxval=s2, dtype=jnp.float32)
    b2 = jax.random.uniform(k8, (D_OUT,), minval=-s2, maxval=s2, dtype=jnp.float32)
    return {"x": x, "edge_index": edge_index, "W1_l": W1_l, "W1_r": W1_r, "b1": b1, "W2_l": W2_l, "W2_r": W2_r, "b2": b2}


def _sage_conv(x, src, dst, deg_inv, W_l, W_r, b):
    # message = x[src]; mean-aggregate at dst; out = lin_l(agg) + lin_r(x)
    msgs = jnp.take(x, src, axis=0)
    agg = jax.ops.segment_sum(msgs, dst, num_segments=N)
    agg = agg * deg_inv[:, None]
    return agg @ W_l.T + x @ W_r.T + b


def reference(x, edge_index, W1_l, W1_r, b1, W2_l, W2_r, b2):
    src = edge_index[0]
    dst = edge_index[1]
    deg = jnp.zeros((N,), dtype=x.dtype).at[dst].add(1.0)
    deg_inv = 1.0 / jnp.maximum(deg, 1.0)
    h = _sage_conv(x, src, dst, deg_inv, W1_l, W1_r, b1)
    h = jax.nn.relu(h)
    # dropout p=0.0 -> identity
    out = _sage_conv(h, src, dst, deg_inv, W2_l, W2_r, b2)
    return out

if __name__ == "__main__":
    import jax
    _d = setup_inputs()
    print(jax.jit(kernel)(*tuple(_d.values())))

</pallas_src>

<mosaic_0001>
#map = affine_map<(d0, d1) -> (0, 0)>
#map1 = affine_map<(d0, d1) -> (0, 0, 0, 0, 0)>
#map2 = affine_map<(d0, d1) -> (0, 0, 0)>
module attributes {stable_mosaic.version = 14 : i64} {
  func.func @seg(%arg0: i32, %arg1: i32, %arg2: memref<10000x128xf32, #tpu.memory_space<hbm>>, %arg3: memref<2x32x8x10x125xi32, #tpu.memory_space<hbm>>, %arg4: memref<632x128xf32, #tpu.memory_space<hbm>>, %arg5: memref<2x10112x128xf32, #tpu.memory_space<hbm>>, %arg6: memref<2x10x125xi32, #tpu.memory_space<vmem>>, %arg7: memref<2x10x125xi32, #tpu.memory_space<vmem>>, %arg8: memref<2x125x128xf32, #tpu.memory_space<vmem>>, %arg9: memref<10112x128xf32, #tpu.memory_space<vmem_shared>>, %arg10: memref<!tpu.dma_semaphore, #tpu.memory_space<semaphore_mem>>, %arg11: memref<!tpu.dma_semaphore, #tpu.memory_space<semaphore_mem>>, %arg12: memref<!tpu.dma_semaphore, #tpu.memory_space<semaphore_mem>>) attributes {dimension_semantics = [#tpu.dimension_semantics<core_parallel>, #tpu.dimension_semantics<subcore_parallel>], iteration_bounds = array<i64: 2, 16>, scalar_prefetch = 0 : i64, scratch_operands = 7 : i64, tpu.core_type = #tpu.core_type<sc_vector_subcore>, window_params = [{transform_indices = #map}, {transform_indices = #map1}, {transform_indices = #map}, {transform_indices = #map2}]} {
    %mul3A = arith.constant 16 : i32
    %mul3A_0 = arith.muli %arg0, %mul3A : i32
    %add3A = arith.addi %mul3A_0, %arg1 : i32
    %mul3A_1 = arith.constant 632 : i32
    %mul3A_2 = arith.muli %arg1, %mul3A_1 : i32
    "tpu.region"() ({
      %run_scoped3A_30 = tpu.sem_alloc : memref<!tpu.dma_semaphore, #tpu.memory_space<semaphore_mem>>
      %dma_start3A_31 = arith.constant 0 : i32
      %dma_start3A_32 = tpu.memref_slice %arg9[%mul3A_2, %dma_start3A_31] : memref<10112x128xf32, #tpu.memory_space<vmem_shared>> -> memref<632x128xf32, #tpu.memory_space<vmem_shared>>
      tpu.enqueue_dma source(%arg4 : memref<632x128xf32, #tpu.memory_space<hbm>>) target(%dma_start3A_32 : memref<632x128xf32, #tpu.memory_space<vmem_shared>>) target_semaphore(%run_scoped3A_30 : memref<!tpu.dma_semaphore, #tpu.memory_space<semaphore_mem>>)
      %dma_wait3A = arith.constant 0 : i32
      %dma_wait3A_33 = tpu.memref_slice %arg9[%mul3A_2, %dma_wait3A] : memref<10112x128xf32, #tpu.memory_space<vmem_shared>> -> memref<632x128xf32, #tpu.memory_space<vmem_shared>>
      tpu.wait_dma2 semaphore(%run_scoped3A_30 : memref<!tpu.dma_semaphore, #tpu.memory_space<semaphore_mem>>) src(%arg4 : memref<632x128xf32, #tpu.memory_space<hbm>>) dst(%dma_wait3A_33 : memref<632x128xf32, #tpu.memory_space<vmem_shared>>)
      tpu.yield
    }) : () -> ()
    %run_scoped3A = arith.constant 0 : i32
    %run_scoped3A_3 = arith.constant 0 : i32
    %run_scoped3A_4 = arith.constant 0 : i32
    "tpu.region"() ({
      %run_scoped3A_30 = tpu.sem_alloc : memref<!tpu.dma_semaphore, #tpu.memory_space<semaphore_mem>>
      %dma_start3A_31 = arith.constant 0 : i32
      %dma_start3A_32 = arith.constant 0 : i32
      %dma_start3A_33 = tpu.memref_slice %arg6[%run_scoped3A_4, %dma_start3A_31, %dma_start3A_32] : memref<2x10x125xi32, #tpu.memory_space<vmem>> -> memref<1x10x125xi32, #tpu.memory_space<vmem>>
      %dma_start3A_34 = tpu.memref_squeeze %dma_start3A_33 : memref<1x10x125xi32, #tpu.memory_space<vmem>> -> memref<10x125xi32, #tpu.memory_space<vmem>>
      %dma_start3A_35 = arith.constant 0 : i32
      %dma_start3A_36 = arith.constant 0 : i32
      %dma_start3A_37 = tpu.memref_slice %arg3[%run_scoped3A, %add3A, %run_scoped3A_3, %dma_start3A_35, %dma_start3A_36] : memref<2x32x8x10x125xi32, #tpu.memory_space<hbm>> -> memref<1x1x1x10x125xi32, #tpu.memory_space<hbm>>
      %dma_start3A_38 = tpu.memref_squeeze %dma_start3A_37 : memref<1x1x1x10x125xi32, #tpu.memory_space<hbm>> -> memref<10x125xi32, #tpu.memory_space<hbm>>
      %dma_start3A_39 = arith.constant 0 : i32
      %dma_start3A_40 = arith.constant 0 : i32
      %dma_start3A_41 = tpu.memref_slice %arg6[%run_scoped3A_4, %dma_start3A_39, %dma_start3A_40] : memref<2x10x125xi32, #tpu.memory_space<vmem>> -> memref<1x10x125xi32, #tpu.memory_space<vmem>>
      %dma_start3A_42 = tpu.memref_squeeze %dma_start3A_41 : memref<1x10x125xi32, #tpu.memory_space<vmem>> -> memref<10x125xi32, #tpu.memory_space<vmem>>
      %dma_start3A_43 = arith.constant 0 : i32
      %dma_start3A_44 = arith.constant 0 : i32
      %dma_start3A_45 = tpu.memref_slice %arg3[%run_scoped3A, %add3A, %run_scoped3A_3, %dma_start3A_43, %dma_start3A_44] : memref<2x32x8x10x125xi32, #tpu.memory_space<hbm>> -> memref<1x1x1x10x125xi32, #tpu.memory_space<hbm>>
      %dma_start3A_46 = tpu.memref_squeeze %dma_start3A_45 : memref<1x1x1x10x125xi32, #tpu.memory_space<hbm>> -> memref<10x125xi32, #tpu.memory_space<hbm>>
      tpu.enqueue_dma source(%dma_start3A_46 : memref<10x125xi32, #tpu.memory_space<hbm>>) target(%dma_start3A_42 : memref<10x125xi32, #tpu.memory_space<vmem>>) target_semaphore(%run_scoped3A_30 : memref<!tpu.dma_semaphore, #tpu.memory_space<semaphore_mem>>)
      %dma_wait3A = arith.constant 0 : i32
      %dma_wait3A_47 = arith.constant 0 : i32
      %dma_wait3A_48 = tpu.memref_slice %arg6[%run_scoped3A_4, %dma_wait3A, %dma_wait3A_47] : memref<2x10x125xi32, #tpu.memory_space<vmem>> -> memref<1x10x125xi32, #tpu.memory_space<vmem>>
      %dma_wait3A_49 = tpu.memref_squeeze %dma_wait3A_48 : memref<1x10x125xi32, #tpu.memory_space<vmem>> -> memref<10x125xi32, #tpu.memory_space<vmem>>
      %dma_wait3A_50 = arith.constant 0 : i32
      %dma_wait3A_51 = arith.constant 0 : i32
      %dma_wait3A_52 = tpu.memref_slice %arg3[%run_scoped3A, %add3A, %run_scoped3A_3, %dma_wait3A_50, %dma_wait3A_51] : memref<2x32x8x10x125xi32, #tpu.memory_space<hbm>> -> memref<1x1x1x10x125xi32, #tpu.memory_space<hbm>>
      %dma_wait3A_53 = tpu.memref_squeeze %dma_wait3A_52 : memref<1x1x1x10x125xi32, #tpu.memory_space<hbm>> -> memref<10x125xi32, #tpu.memory_space<hbm>>
      %dma_wait3A_54 = arith.constant 0 : i32
      %dma_wait3A_55 = arith.constant 0 : i32
      %dma_wait3A_56 = tpu.memref_slice %arg6[%run_scoped3A_4, %dma_wait3A_54, %dma_wait3A_55] : memref<2x10x125xi32, #tpu.memory_space<vmem>> -> memref<1x10x125xi32, #tpu.memory_space<vmem>>
      %dma_wait3A_57 = tpu.memref_squeeze %dma_wait3A_56 : memref<1x10x125xi32, #tpu.memory_space<vmem>> -> memref<10x125xi32, #tpu.memory_space<vmem>>
      %dma_wait3A_58 = arith.constant 0 : i32
      %dma_wait3A_59 = arith.constant 0 : i32
      %dma_wait3A_60 = tpu.memref_slice %arg3[%run_scoped3A, %add3A, %run_scoped3A_3, %dma_wait3A_58, %dma_wait3A_59] : memref<2x32x8x10x125xi32, #tpu.memory_space<hbm>> -> memref<1x1x1x10x125xi32, #tpu.memory_space<hbm>>
      %dma_wait3A_61 = tpu.memref_squeeze %dma_wait3A_60 : memref<1x1x1x10x125xi32, #tpu.memory_space<hbm>> -> memref<10x125xi32, #tpu.memory_space<hbm>>
      tpu.wait_dma2 semaphore(%run_scoped3A_30 : memref<!tpu.dma_semaphore, #tpu.memory_space<semaphore_mem>>) src(%dma_wait3A_61 : memref<10x125xi32, #tpu.memory_space<hbm>>) dst(%dma_wait3A_57 : memref<10x125xi32, #tpu.memory_space<vmem>>)
      tpu.yield
    }) : () -> ()
    %run_scoped3A_5 = arith.constant 1 : i32
    %run_scoped3A_6 = arith.constant 0 : i32
    %run_scoped3A_7 = arith.constant 0 : i32
    "tpu.region"() ({
      %run_scoped3A_30 = tpu.sem_alloc : memref<!tpu.dma_semaphore, #tpu.memory_space<semaphore_mem>>
      %dma_start3A_31 = arith.constant 0 : i32
      %dma_start3A_32 = arith.constant 0 : i32
      %dma_start3A_33 = tpu.memref_slice %arg7[%run_scoped3A_7, %dma_start3A_31, %dma_start3A_32] : memref<2x10x125xi32, #tpu.memory_space<vmem>> -> memref<1x10x125xi32, #tpu.memory_space<vmem>>
      %dma_start3A_34 = tpu.memref_squeeze %dma_start3A_33 : memref<1x10x125xi32, #tpu.memory_space<vmem>> -> memref<10x125xi32, #tpu.memory_space<vmem>>
      %dma_start3A_35 = arith.constant 0 : i32
      %dma_start3A_36 = arith.constant 0 : i32
      %dma_start3A_37 = tpu.memref_slice %arg3[%run_scoped3A_5, %add3A, %run_scoped3A_6, %dma_start3A_35, %dma_start3A_36] : memref<2x32x8x10x125xi32, #tpu.memory_space<hbm>> -> memref<1x1x1x10x125xi32, #tpu.memory_space<hbm>>
      %dma_start3A_38 = tpu.memref_squeeze %dma_start3A_37 : memref<1x1x1x10x125xi32, #tpu.memory_space<hbm>> -> memref<10x125xi32, #tpu.memory_space<hbm>>
      %dma_start3A_39 = arith.constant 0 : i32
      %dma_start3A_40 = arith.constant 0 : i32
      %dma_start3A_41 = tpu.memref_slice %arg7[%run_scoped3A_7, %dma_start3A_39, %dma_start3A_40] : memref<2x10x125xi32, #tpu.memory_space<vmem>> -> memref<1x10x125xi32, #tpu.memory_space<vmem>>
      %dma_start3A_42 = tpu.memref_squeeze %dma_start3A_41 : memref<1x10x125xi32, #tpu.memory_space<vmem>> -> memref<10x125xi32, #tpu.memory_space<vmem>>
      %dma_start3A_43 = arith.constant 0 : i32
      %dma_start3A_44 = arith.constant 0 : i32
      %dma_start3A_45 = tpu.memref_slice %arg3[%run_scoped3A_5, %add3A, %run_scoped3A_6, %dma_start3A_43, %dma_start3A_44] : memref<2x32x8x10x125xi32, #tpu.memory_space<hbm>> -> memref<1x1x1x10x125xi32, #tpu.memory_space<hbm>>
      %dma_start3A_46 = tpu.memref_squeeze %dma_start3A_45 : memref<1x1x1x10x125xi32, #tpu.memory_space<hbm>> -> memref<10x125xi32, #tpu.memory_space<hbm>>
      tpu.enqueue_dma source(%dma_start3A_46 : memref<10x125xi32, #tpu.memory_space<hbm>>) target(%dma_start3A_42 : memref<10x125xi32, #tpu.memory_space<vmem>>) target_semaphore(%run_scoped3A_30 : memref<!tpu.dma_semaphore, #tpu.memory_space<semaphore_mem>>)
      %dma_wait3A = arith.constant 0 : i32
      %dma_wait3A_47 = arith.constant 0 : i32
      %dma_wait3A_48 = tpu.memref_slice %arg7[%run_scoped3A_7, %dma_wait3A, %dma_wait3A_47] : memref<2x10x125xi32, #tpu.memory_space<vmem>> -> memref<1x10x125xi32, #tpu.memory_space<vmem>>
      %dma_wait3A_49 = tpu.memref_squeeze %dma_wait3A_48 : memref<1x10x125xi32, #tpu.memory_space<vmem>> -> memref<10x125xi32, #tpu.memory_space<vmem>>
      %dma_wait3A_50 = arith.constant 0 : i32
      %dma_wait3A_51 = arith.constant 0 : i32
      %dma_wait3A_52 = tpu.memref_slice %arg3[%run_scoped3A_5, %add3A, %run_scoped3A_6, %dma_wait3A_50, %dma_wait3A_51] : memref<2x32x8x10x125xi32, #tpu.memory_space<hbm>> -> memref<1x1x1x10x125xi32, #tpu.memory_space<hbm>>
      %dma_wait3A_53 = tpu.memref_squeeze %dma_wait3A_52 : memref<1x1x1x10x125xi32, #tpu.memory_space<hbm>> -> memref<10x125xi32, #tpu.memory_space<hbm>>
      %dma_wait3A_54 = arith.constant 0 : i32
      %dma_wait3A_55 = arith.constant 0 : i32
      %dma_wait3A_56 = tpu.memref_slice %arg7[%run_scoped3A_7, %dma_wait3A_54, %dma_wait3A_55] : memref<2x10x125xi32, #tpu.memory_space<vmem>> -> memref<1x10x125xi32, #tpu.memory_space<vmem>>
      %dma_wait3A_57 = tpu.memref_squeeze %dma_wait3A_56 : memref<1x10x125xi32, #tpu.memory_space<vmem>> -> memref<10x125xi32, #tpu.memory_space<vmem>>
      %dma_wait3A_58 = arith.constant 0 : i32
      %dma_wait3A_59 = arith.constant 0 : i32
      %dma_wait3A_60 = tpu.memref_slice %arg3[%run_scoped3A_5, %add3A, %run_scoped3A_6, %dma_wait3A_58, %dma_wait3A_59] : memref<2x32x8x10x125xi32, #tpu.memory_space<hbm>> -> memref<1x1x1x10x125xi32, #tpu.memory_space<hbm>>
      %dma_wait3A_61 = tpu.memref_squeeze %dma_wait3A_60 : memref<1x1x1x10x125xi32, #tpu.memory_space<hbm>> -> memref<10x125xi32, #tpu.memory_space<hbm>>
      tpu.wait_dma2 semaphore(%run_scoped3A_30 : memref<!tpu.dma_semaphore, #tpu.memory_space<semaphore_mem>>) src(%dma_wait3A_61 : memref<10x125xi32, #tpu.memory_space<hbm>>) dst(%dma_wait3A_57 : memref<10x125xi32, #tpu.memory_space<vmem>>)
      tpu.yield
    }) : () -> ()
    %barrier3A = arith.constant 0 : index
    tpu.barrier barrier_id(%barrier3A)
    %dma_start3A = arith.constant 0 : i32
    %dma_start3A_8 = arith.constant 0 : i32
    %dma_start3A_9 = arith.constant 0 : i32
    %dma_start3A_10 = arith.constant 0 : i32
    %dma_start3A_11 = arith.constant 0 : i32
    %dma_start3A_12 = tpu.memref_slice %arg8[%dma_start3A_9, %dma_start3A_10, %dma_start3A_11] : memref<2x125x128xf32, #tpu.memory_space<vmem>> -> memref<1x125x128xf32, #tpu.memory_space<vmem>>
    %dma_start3A_13 = tpu.memref_squeeze %dma_start3A_12 : memref<1x125x128xf32, #tpu.memory_space<vmem>> -> memref<125x128xf32, #tpu.memory_space<vmem>>
    %dma_start3A_14 = arith.constant 0 : i32
    %dma_start3A_15 = tpu.memref_slice %arg6[%dma_start3A, %dma_start3A_8, %dma_start3A_14] : memref<2x10x125xi32, #tpu.memory_space<vmem>> -> memref<1x1x125xi32, #tpu.memory_space<vmem>>
    %dma_start3A_16 = tpu.memref_squeeze %dma_start3A_15 : memref<1x1x125xi32, #tpu.memory_space<vmem>> -> memref<125xi32, #tpu.memory_space<vmem>>
    %dma_start3A_17 = arith.constant 0 : i32
    %dma_start3A_18 = arith.constant 0 : i32
    %dma_start3A_19 = tpu.memref_slice %arg2[%dma_start3A_17, %dma_start3A_18] : memref<10000x128xf32, #tpu.memory_space<hbm>> -> memref<10000x128xf32, #tpu.memory_space<hbm>>
    tpu.enqueue_indirect_dma source(%dma_start3A_19 : memref<10000x128xf32, #tpu.memory_space<hbm>>) target(%dma_start3A_13 : memref<125x128xf32, #tpu.memory_space<vmem>>) offsets(%dma_start3A_16 : memref<125xi32, #tpu.memory_space<vmem>>) semaphore(%arg10 : memref<!tpu.dma_semaphore, #tpu.memory_space<semaphore_mem>>)
    %scan3A = arith.constant 0 : i32
    %scan3A_20 = arith.constant 0 : i32
    %scan3A_21 = arith.constant 8 : i32
    %scan3A_22 = arith.addi %scan3A_20, %scan3A_21 : i32
    %scan3A_23 = arith.constant 1 : i32
    scf.for %scan3A_30 = %scan3A_20 to %scan3A_22 step %scan3A_23  : i32 {
      %jit3A = arith.constant 2 : i32
      %eq3A = arith.constant 0 : i32
      %eq3A_31 = arith.cmpi eq, %jit3A, %eq3A : i32
      %jit3A_32 = arith.constant 1 : i32
      %select_n3A = arith.select %eq3A_31, %jit3A_32, %jit3A : i32
      %rem3A = arith.remsi %scan3A_30, %select_n3A : i32
      %ne3A = arith.constant 0 : i32
      %ne3A_33 = arith.cmpi ne, %rem3A, %ne3A : i32
      %lt3A = arith.constant 0 : i32
      %lt3A_34 = arith.cmpi slt, %rem3A, %lt3A : i32
      %lt3A_35 = arith.constant 0 : i32
      %lt3A_36 = arith.cmpi slt, %select_n3A, %lt3A_35 : i32
      %ne3A_37 = arith.xori %lt3A_34, %lt3A_36 : i1
      %and3A = arith.andi %ne3A_37, %ne3A_33 : i1
      %add3A_38 = arith.addi %rem3A, %select_n3A : i32
      %select_n3A_39 = arith.select %and3A, %add3A_38, %rem3A : i32
      %add3A_40 = arith.constant 1 : i32
      %add3A_41 = arith.addi %scan3A_30, %add3A_40 : i32
      %lt3A_42 = arith.constant 8 : i32
      %lt3A_43 = arith.cmpi slt, %add3A_41, %lt3A_42 : i32
      %convert_element_type3A = arith.extui %lt3A_43 : i1 to i32
      %cond3A = arith.constant 0 : i32
      %cond3A_44 = arith.cmpi ne, %convert_element_type3A, %cond3A : i32
      scf.if %cond3A_44 {
        %add3A_51 = arith.constant 1 : i32
        %add3A_52 = arith.addi %scan3A_30, %add3A_51 : i32
        %sub3A = arith.constant 1 : i32
        %sub3A_53 = arith.subi %sub3A, %select_n3A_39 : i32
        %dma_start3A_54 = arith.constant 0 : i32
        %dma_start3A_55 = arith.constant 0 : i32
        %dma_start3A_56 = arith.constant 0 : i32
        %dma_start3A_57 = tpu.memref_slice %arg6[%sub3A_53, %dma_start3A_55, %dma_start3A_56] : memref<2x10x125xi32, #tpu.memory_space<vmem>> -> memref<1x10x125xi32, #tpu.memory_space<vmem>>
        %dma_start3A_58 = tpu.memref_squeeze %dma_start3A_57 : memref<1x10x125xi32, #tpu.memory_space<vmem>> -> memref<10x125xi32, #tpu.memory_space<vmem>>
        %dma_start3A_59 = arith.constant 0 : i32
        %dma_start3A_60 = arith.constant 0 : i32
        %dma_start3A_61 = tpu.memref_slice %arg3[%dma_start3A_54, %add3A, %add3A_52, %dma_start3A_59, %dma_start3A_60] : memref<2x32x8x10x125xi32, #tpu.memory_space<hbm>> -> memref<1x1x1x10x125xi32, #tpu.memory_space<hbm>>
        %dma_start3A_62 = tpu.memref_squeeze %dma_start3A_61 : memref<1x1x1x10x125xi32, #tpu.memory_space<hbm>> -> memref<10x125xi32, #tpu.memory_space<hbm>>
        %dma_start3A_63 = arith.constant 0 : i32
        %dma_start3A_64 = arith.constant 0 : i32
        %dma_start3A_65 = tpu.memref_slice %arg6[%sub3A_53, %dma_start3A_63, %dma_start3A_64] : memref<2x10x125xi32, #tpu.memory_space<vmem>> -> memref<1x10x125xi32, #tpu.memory_space<vmem>>
        %dma_start3A_66 = tpu.memref_squeeze %dma_start3A_65 : memref<1x10x125xi32, #tpu.memory_space<vmem>> -> memref<10x125xi32, #tpu.memory_space<vmem>>
        %dma_start3A_67 = arith.constant 0 : i32
        %dma_start3A_68 = arith.constant 0 : i32
        %dma_start3A_69 = tpu.memref_slice %arg3[%dma_start3A_54, %add3A, %add3A_52, %dma_start3A_67, %dma_start3A_68] : memref<2x32x8x10x125xi32, #tpu.memory_space<hbm>> -> memref<1x1x1x10x125xi32, #tpu.memory_space<hbm>>
        %dma_start3A_70 = tpu.memref_squeeze %dma_start3A_69 : memref<1x1x1x10x125xi32, #tpu.memory_space<hbm>> -> memref<10x125xi32, #tpu.memory_space<hbm>>
        tpu.enqueue_dma source(%dma_start3A_70 : memref<10x125xi32, #tpu.memory_space<hbm>>) target(%dma_start3A_66 : memref<10x125xi32, #tpu.memory_space<vmem>>) target_semaphore(%arg12 : memref<!tpu.dma_semaphore, #tpu.memory_space<semaphore_mem>>)
        %add3A_71 = arith.constant 1 : i32
        %add3A_72 = arith.addi %scan3A_30, %add3A_71 : i32
        %sub3A_73 = arith.constant 1 : i32
        %sub3A_74 = arith.subi %sub3A_73, %select_n3A_39 : i32
        %dma_start3A_75 = arith.constant 1 : i32
        %dma_start3A_76 = arith.constant 0 : i32
        %dma_start3A_77 = arith.constant 0 : i32
        %dma_start3A_78 = tpu.memref_slice %arg7[%sub3A_74, %dma_start3A_76, %dma_start3A_77] : memref<2x10x125xi32, #tpu.memory_space<vmem>> -> memref<1x10x125xi32, #tpu.memory_space<vmem>>
        %dma_start3A_79 = tpu.memref_squeeze %dma_start3A_78 : memref<1x10x125xi32, #tpu.memory_space<vmem>> -> memref<10x125xi32, #tpu.memory_space<vmem>>
        %dma_start3A_80 = arith.constant 0 : i32
        %dma_start3A_81 = arith.constant 0 : i32
        %dma_start3A_82 = tpu.memref_slice %arg3[%dma_start3A_75, %add3A, %add3A_72, %dma_start3A_80, %dma_start3A_81] : memref<2x32x8x10x125xi32, #tpu.memory_space<hbm>> -> memref<1x1x1x10x125xi32, #tpu.memory_space<hbm>>
        %dma_start3A_83 = tpu.memref_squeeze %dma_start3A_82 : memref<1x1x1x10x125xi32, #tpu.memory_space<hbm>> -> memref<10x125xi32, #tpu.memory_space<hbm>>
        %dma_start3A_84 = arith.constant 0 : i32
        %dma_start3A_85 = arith.constant 0 : i32
        %dma_start3A_86 = tpu.memref_slice %arg7[%sub3A_74, %dma_start3A_84, %dma_start3A_85] : memref<2x10x125xi32, #tpu.memory_space<vmem>> -> memref<1x10x125xi32, #tpu.memory_space<vmem>>
        %dma_start3A_87 = tpu.memref_squeeze %dma_start3A_86 : memref<1x10x125xi32, #tpu.memory_space<vmem>> -> memref<10x125xi32, #tpu.memory_space<vmem>>
        %dma_start3A_88 = arith.constant 0 : i32
        %dma_start3A_89 = arith.constant 0 : i32
        %dma_start3A_90 = tpu.memref_slice %arg3[%dma_start3A_75, %add3A, %add3A_72, %dma_start3A_88, %dma_start3A_89] : memref<2x32x8x10x125xi32, #tpu.memory_space<hbm>> -> memref<1x1x1x10x125xi32, #tpu.memory_space<hbm>>
        %dma_start3A_91 = tpu.memref_squeeze %dma_start3A_90 : memref<1x1x1x10x125xi32, #tpu.memory_space<hbm>> -> memref<10x125xi32, #tpu.memory_space<hbm>>
        tpu.enqueue_dma source(%dma_start3A_91 : memref<10x125xi32, #tpu.memory_space<hbm>>) target(%dma_start3A_87 : memref<10x125xi32, #tpu.memory_space<vmem>>) target_semaphore(%arg12 : memref<!tpu.dma_semaphore, #tpu.memory_space<semaphore_mem>>)
      } else {
      }
      %scan3A_45 = arith.constant 0 : i32
      %scan3A_46 = arith.constant 0 : i32
      %scan3A_47 = arith.constant 5 : i32
      %scan3A_48 = arith.addi %scan3A_46, %scan3A_47 : i32
      %scan3A_49 = arith.constant 1 : i32
      scf.for %scan3A_51 = %scan3A_46 to %scan3A_48 step %scan3A_49  : i32 {
        %mul3A_52 = arith.constant 2 : i32
        %mul3A_53 = arith.muli %mul3A_52, %scan3A_51 : i32
        %add3A_54 = arith.constant 1 : i32
        %add3A_55 = arith.addi %mul3A_53, %add3A_54 : i32
        %dma_start3A_56 = arith.constant 1 : i32
        %dma_start3A_57 = arith.constant 0 : i32
        %dma_start3A_58 = arith.constant 0 : i32
        %dma_start3A_59 = tpu.memref_slice %arg8[%dma_start3A_56, %dma_start3A_57, %dma_start3A_58] : memref<2x125x128xf32, #tpu.memory_space<vmem>> -> memref<1x125x128xf32, #tpu.memory_space<vmem>>
        %dma_start3A_60 = tpu.memref_squeeze %dma_start3A_59 : memref<1x125x128xf32, #tpu.memory_space<vmem>> -> memref<125x128xf32, #tpu.memory_space<vmem>>
        %dma_start3A_61 = arith.constant 0 : i32
        %dma_start3A_62 = tpu.memref_slice %arg6[%select_n3A_39, %add3A_55, %dma_start3A_61] : memref<2x10x125xi32, #tpu.memory_space<vmem>> -> memref<1x1x125xi32, #tpu.memory_space<vmem>>
        %dma_start3A_63 = tpu.memref_squeeze %dma_start3A_62 : memref<1x1x125xi32, #tpu.memory_space<vmem>> -> memref<125xi32, #tpu.memory_space<vmem>>
        %dma_start3A_64 = arith.constant 0 : i32
        %dma_start3A_65 = arith.constant 0 : i32
        %dma_start3A_66 = tpu.memref_slice %arg2[%dma_start3A_64, %dma_start3A_65] : memref<10000x128xf32, #tpu.memory_space<hbm>> -> memref<10000x128xf32, #tpu.memory_space<hbm>>
        tpu.enqueue_indirect_dma source(%dma_start3A_66 : memref<10000x128xf32, #tpu.memory_space<hbm>>) target(%dma_start3A_60 : memref<125x128xf32, #tpu.memory_space<vmem>>) offsets(%dma_start3A_63 : memref<125xi32, #tpu.memory_space<vmem>>) semaphore(%arg11 : memref<!tpu.dma_semaphore, #tpu.memory_space<semaphore_mem>>)
        %dma_wait3A = arith.constant 0 : i32
        %dma_wait3A_67 = arith.constant 0 : i32
        %dma_wait3A_68 = arith.constant 0 : i32
        %dma_wait3A_69 = tpu.memref_slice %arg8[%dma_wait3A, %dma_wait3A_67, %dma_wait3A_68] : memref<2x125x128xf32, #tpu.memory_space<vmem>> -> memref<1x125x128xf32, #tpu.memory_space<vmem>>
        %dma_wait3A_70 = tpu.memref_squeeze %dma_wait3A_69 : memref<1x125x128xf32, #tpu.memory_space<vmem>> -> memref<125x128xf32, #tpu.memory_space<vmem>>
        %dma_wait3A_71 = arith.constant 0 : i32
        %dma_wait3A_72 = tpu.memref_slice %arg6[%select_n3A_39, %mul3A_53, %dma_wait3A_71] : memref<2x10x125xi32, #tpu.memory_space<vmem>> -> memref<1x1x125xi32, #tpu.memory_space<vmem>>
        %dma_wait3A_73 = tpu.memref_squeeze %dma_wait3A_72 : memref<1x1x125xi32, #tpu.memory_space<vmem>> -> memref<125xi32, #tpu.memory_space<vmem>>
        %dma_wait3A_74 = arith.constant 0 : i32
        %dma_wait3A_75 = arith.constant 0 : i32
        %dma_wait3A_76 = tpu.memref_slice %arg2[%dma_wait3A_74, %dma_wait3A_75] : memref<10000x128xf32, #tpu.memory_space<hbm>> -> memref<10000x128xf32, #tpu.memory_space<hbm>>
        tpu.wait_indirect_dma semaphore(%arg10 : memref<!tpu.dma_semaphore, #tpu.memory_space<semaphore_mem>>) src(%dma_wait3A_76 : memref<10000x128xf32, #tpu.memory_space<hbm>>) dst(%dma_wait3A_70 : memref<125x128xf32, #tpu.memory_space<vmem>>)
        %run_scoped3A_77 = arith.constant 0 : i32
        "tpu.region"() ({
          %run_scoped3A_108 = tpu.sem_alloc : memref<!tpu.dma_semaphore, #tpu.memory_space<semaphore_mem>>
          %dma_start3A_109 = arith.constant 0 : i32
          %dma_start3A_110 = arith.constant 0 : i32
          %dma_start3A_111 = tpu.memref_slice %arg8[%run_scoped3A_77, %dma_start3A_109, %dma_start3A_110] : memref<2x125x128xf32, #tpu.memory_space<vmem>> -> memref<1x125x128xf32, #tpu.memory_space<vmem>>
          %dma_start3A_112 = tpu.memref_squeeze %dma_start3A_111 : memref<1x125x128xf32, #tpu.memory_space<vmem>> -> memref<125x128xf32, #tpu.memory_space<vmem>>
          %dma_start3A_113 = arith.constant 0 : i32
          %dma_start3A_114 = tpu.memref_slice %arg7[%select_n3A_39, %mul3A_53, %dma_start3A_113] : memref<2x10x125xi32, #tpu.memory_space<vmem>> -> memref<1x1x125xi32, #tpu.memory_space<vmem>>
          %dma_start3A_115 = tpu.memref_squeeze %dma_start3A_114 : memref<1x1x125xi32, #tpu.memory_space<vmem>> -> memref<125xi32, #tpu.memory_space<vmem>>
          %dma_start3A_116 = arith.constant 0 : i32
          %dma_start3A_117 = arith.constant 0 : i32
          %dma_start3A_118 = tpu.memref_slice %arg9[%dma_start3A_116, %dma_start3A_117] : memref<10112x128xf32, #tpu.memory_space<vmem_shared>> -> memref<10112x128xf32, #tpu.memory_space<vmem_shared>>
          tpu.enqueue_indirect_dma source(%dma_start3A_112 : memref<125x128xf32, #tpu.memory_space<vmem>>) target(%dma_start3A_118 : memref<10112x128xf32, #tpu.memory_space<vmem_shared>>) offsets(%dma_start3A_115 : memref<125xi32, #tpu.memory_space<vmem>>) semaphore(%run_scoped3A_108 : memref<!tpu.dma_semaphore, #tpu.memory_space<semaphore_mem>>) {add = true}
          %dma_wait3A_119 = arith.constant 0 : i32
          %dma_wait3A_120 = arith.constant 0 : i32
          %dma_wait3A_121 = tpu.memref_slice %arg8[%run_scoped3A_77, %dma_wait3A_119, %dma_wait3A_120] : memref<2x125x128xf32, #tpu.memory_space<vmem>> -> memref<1x125x128xf32, #tpu.memory_space<vmem>>
          %dma_wait3A_122 = tpu.memref_squeeze %dma_wait3A_121 : memref<1x125x128xf32, #tpu.memory_space<vmem>> -> memref<125x128xf32, #tpu.memory_space<vmem>>
          %dma_wait3A_123 = arith.constant 0 : i32
          %dma_wait3A_124 = tpu.memref_slice %arg7[%select_n3A_39, %mul3A_53, %dma_wait3A_123] : memref<2x10x125xi32, #tpu.memory_space<vmem>> -> memref<1x1x125xi32, #tpu.memory_space<vmem>>
          %dma_wait3A_125 = tpu.memref_squeeze %dma_wait3A_124 : memref<1x1x125xi32, #tpu.memory_space<vmem>> -> memref<125xi32, #tpu.memory_space<vmem>>
          %dma_wait3A_126 = arith.constant 0 : i32
          %dma_wait3A_127 = arith.constant 0 : i32
          %dma_wait3A_128 = tpu.memref_slice %arg9[%dma_wait3A_126, %dma_wait3A_127] : memref<10112x128xf32, #tpu.memory_space<vmem_shared>> -> memref<10112x128xf32, #tpu.memory_space<vmem_shared>>
          tpu.wait_indirect_dma semaphore(%run_scoped3A_108 : memref<!tpu.dma_semaphore, #tpu.memory_space<semaphore_mem>>) src(%dma_wait3A_122 : memref<125x128xf32, #tpu.memory_space<vmem>>) dst(%dma_wait3A_128 : memref<10112x128xf32, #tpu.memory_space<vmem_shared>>)
          tpu.yield
        }) : () -> ()
        %add3A_78 = arith.constant 1 : i32
        %add3A_79 = arith.addi %add3A_55, %add3A_78 : i32
        %lt3A_80 = arith.constant 10 : i32
        %lt3A_81 = arith.cmpi slt, %add3A_79, %lt3A_80 : i32
        %convert_element_type3A_82 = arith.extui %lt3A_81 : i1 to i32
        %cond3A_83 = arith.constant 0 : i32
        %cond3A_84 = arith.cmpi ne, %convert_element_type3A_82, %cond3A_83 : i32
        scf.if %cond3A_84 {
          %add3A_108 = arith.constant 2 : i32
          %add3A_109 = arith.addi %mul3A_53, %add3A_108 : i32
          %dma_start3A_110 = arith.constant 0 : i32
          %dma_start3A_111 = arith.constant 0 : i32
          %dma_start3A_112 = arith.constant 0 : i32
          %dma_start3A_113 = tpu.memref_slice %arg8[%dma_start3A_110, %dma_start3A_111, %dma_start3A_112] : memref<2x125x128xf32, #tpu.memory_space<vmem>> -> memref<1x125x128xf32, #tpu.memory_space<vmem>>
          %dma_start3A_114 = tpu.memref_squeeze %dma_start3A_113 : memref<1x125x128xf32, #tpu.memory_space<vmem>> -> memref<125x128xf32, #tpu.memory_space<vmem>>
          %dma_start3A_115 = arith.constant 0 : i32
          %dma_start3A_116 = tpu.memref_slice %arg6[%select_n3A_39, %add3A_109, %dma_start3A_115] : memref<2x10x125xi32, #tpu.memory_space<vmem>> -> memref<1x1x125xi32, #tpu.memory_space<vmem>>
          %dma_start3A_117 = tpu.memref_squeeze %dma_start3A_116 : memref<1x1x125xi32, #tpu.memory_space<vmem>> -> memref<125xi32, #tpu.memory_space<vmem>>
          %dma_start3A_118 = arith.constant 0 : i32
          %dma_start3A_119 = arith.constant 0 : i32
          %dma_start3A_120 = tpu.memref_slice %arg2[%dma_start3A_118, %dma_start3A_119] : memref<10000x128xf32, #tpu.memory_space<hbm>> -> memref<10000x128xf32, #tpu.memory_space<hbm>>
          tpu.enqueue_indirect_dma source(%dma_start3A_120 : memref<10000x128xf32, #tpu.memory_space<hbm>>) target(%dma_start3A_114 : memref<125x128xf32, #tpu.memory_space<vmem>>) offsets(%dma_start3A_117 : memref<125xi32, #tpu.memory_space<vmem>>) semaphore(%arg10 : memref<!tpu.dma_semaphore, #tpu.memory_space<semaphore_mem>>)
        } else {
        }
        %add3A_85 = arith.constant 1 : i32
        %add3A_86 = arith.addi %add3A_55, %add3A_85 : i32
        %ge3A = arith.constant 10 : i32
        %ge3A_87 = arith.cmpi sge, %add3A_86, %ge3A : i32
        %add3A_88 = arith.constant 1 : i32
        %add3A_89 = arith.addi %scan3A_30, %add3A_88 : i32
        %lt3A_90 = arith.constant 8 : i32
        %lt3A_91 = arith.cmpi slt, %add3A_89, %lt3A_90 : i32
        %and3A_92 = arith.andi %ge3A_87, %lt3A_91 : i1
        %convert_element_type3A_93 = arith.extui %and3A_92 : i1 to i32
        %cond3A_94 = arith.constant 0 : i32
        %cond3A_95 = arith.cmpi ne, %convert_element_type3A_93, %cond3A_94 : i32
        scf.if %cond3A_95 {
          %add3A_108 = arith.constant 1 : i32
          %add3A_109 = arith.addi %scan3A_30, %add3A_108 : i32
          %sub3A = arith.constant 1 : i32
          %sub3A_110 = arith.subi %sub3A, %select_n3A_39 : i32
          %dma_wait3A_111 = arith.constant 0 : i32
          %dma_wait3A_112 = arith.constant 0 : i32
          %dma_wait3A_113 = arith.constant 0 : i32
          %dma_wait3A_114 = tpu.memref_slice %arg6[%sub3A_110, %dma_wait3A_112, %dma_wait3A_113] : memref<2x10x125xi32, #tpu.memory_space<vmem>> -> memref<1x10x125xi32, #tpu.memory_space<vmem>>
          %dma_wait3A_115 = tpu.memref_squeeze %dma_wait3A_114 : memref<1x10x125xi32, #tpu.memory_space<vmem>> -> memref<10x125xi32, #tpu.memory_space<vmem>>
          %dma_wait3A_116 = arith.constant 0 : i32
          %dma_wait3A_117 = arith.constant 0 : i32
          %dma_wait3A_118 = tpu.memref_slice %arg3[%dma_wait3A_111, %add3A, %add3A_109, %dma_wait3A_116, %dma_wait3A_117] : memref<2x32x8x10x125xi32, #tpu.memory_space<hbm>> -> memref<1x1x1x10x125xi32, #tpu.memory_space<hbm>>
          %dma_wait3A_119 = tpu.memref_squeeze %dma_wait3A_118 : memref<1x1x1x10x125xi32, #tpu.memory_space<hbm>> -> memref<10x125xi32, #tpu.memory_space<hbm>>
          %dma_wait3A_120 = arith.constant 0 : i32
          %dma_wait3A_121 = arith.constant 0 : i32
          %dma_wait3A_122 = tpu.memref_slice %arg6[%sub3A_110, %dma_wait3A_120, %dma_wait3A_121] : memref<2x10x125xi32, #tpu.memory_space<vmem>> -> memref<1x10x125xi32, #tpu.memory_space<vmem>>
          %dma_wait3A_123 = tpu.memref_squeeze %dma_wait3A_122 : memref<1x10x125xi32, #tpu.memory_space<vmem>> -> memref<10x125xi32, #tpu.memory_space<vmem>>
          %dma_wait3A_124 = arith.constant 0 : i32
          %dma_wait3A_125 = arith.constant 0 : i32
          %dma_wait3A_126 = tpu.memref_slice %arg3[%dma_wait3A_111, %add3A, %add3A_109, %dma_wait3A_124, %dma_wait3A_125] : memref<2x32x8x10x125xi32, #tpu.memory_space<hbm>> -> memref<1x1x1x10x125xi32, #tpu.memory_space<hbm>>
          %dma_wait3A_127 = tpu.memref_squeeze %dma_wait3A_126 : memref<1x1x1x10x125xi32, #tpu.memory_space<hbm>> -> memref<10x125xi32, #tpu.memory_space<hbm>>
          tpu.wait_dma2 semaphore(%arg12 : memref<!tpu.dma_semaphore, #tpu.memory_space<semaphore_mem>>) src(%dma_wait3A_127 : memref<10x125xi32, #tpu.memory_space<hbm>>) dst(%dma_wait3A_123 : memref<10x125xi32, #tpu.memory_space<vmem>>)
          %add3A_128 = arith.constant 1 : i32
          %add3A_129 = arith.addi %scan3A_30, %add3A_128 : i32
          %sub3A_130 = arith.constant 1 : i32
          %sub3A_131 = arith.subi %sub3A_130, %select_n3A_39 : i32
          %dma_wait3A_132 = arith.constant 1 : i32
          %dma_wait3A_133 = arith.constant 0 : i32
          %dma_wait3A_134 = arith.constant 0 : i32
          %dma_wait3A_135 = tpu.memref_slice %arg7[%sub3A_131, %dma_wait3A_133, %dma_wait3A_134] : memref<2x10x125xi32, #tpu.memory_space<vmem>> -> memref<1x10x125xi32, #tpu.memory_space<vmem>>
          %dma_wait3A_136 = tpu.memref_squeeze %dma_wait3A_135 : memref<1x10x125xi32, #tpu.memory_space<vmem>> -> memref<10x125xi32, #tpu.memory_space<vmem>>
          %dma_wait3A_137 = arith.constant 0 : i32
          %dma_wait3A_138 = arith.constant 0 : i32
          %dma_wait3A_139 = tpu.memref_slice %arg3[%dma_wait3A_132, %add3A, %add3A_129, %dma_wait3A_137, %dma_wait3A_138] : memref<2x32x8x10x125xi32, #tpu.memory_space<hbm>> -> memref<1x1x1x10x125xi32, #tpu.memory_space<hbm>>
          %dma_wait3A_140 = tpu.memref_squeeze %dma_wait3A_139 : memref<1x1x1x10x125xi32, #tpu.memory_space<hbm>> -> memref<10x125xi32, #tpu.memory_space<hbm>>
          %dma_wait3A_141 = arith.constant 0 : i32
          %dma_wait3A_142 = arith.constant 0 : i32
          %dma_wait3A_143 = tpu.memref_slice %arg7[%sub3A_131, %dma_wait3A_141, %dma_wait3A_142] : memref<2x10x125xi32, #tpu.memory_space<vmem>> -> memref<1x10x125xi32, #tpu.memory_space<vmem>>
          %dma_wait3A_144 = tpu.memref_squeeze %dma_wait3A_143 : memref<1x10x125xi32, #tpu.memory_space<vmem>> -> memref<10x125xi32, #tpu.memory_space<vmem>>
          %dma_wait3A_145 = arith.constant 0 : i32
          %dma_wait3A_146 = arith.constant 0 : i32
          %dma_wait3A_147 = tpu.memref_slice %arg3[%dma_wait3A_132, %add3A, %add3A_129, %dma_wait3A_145, %dma_wait3A_146] : memref<2x32x8x10x125xi32, #tpu.memory_space<hbm>> -> memref<1x1x1x10x125xi32, #tpu.memory_space<hbm>>
          %dma_wait3A_148 = tpu.memref_squeeze %dma_wait3A_147 : memref<1x1x1x10x125xi32, #tpu.memory_space<hbm>> -> memref<10x125xi32, #tpu.memory_space<hbm>>
          tpu.wait_dma2 semaphore(%arg12 : memref<!tpu.dma_semaphore, #tpu.memory_space<semaphore_mem>>) src(%dma_wait3A_148 : memref<10x125xi32, #tpu.memory_space<hbm>>) dst(%dma_wait3A_144 : memref<10x125xi32, #tpu.memory_space<vmem>>)
          %sub3A_149 = arith.constant 1 : i32
          %sub3A_150 = arith.subi %sub3A_149, %select_n3A_39 : i32
          %dma_start3A_151 = arith.constant 0 : i32
          %dma_start3A_152 = arith.constant 0 : i32
          %dma_start3A_153 = arith.constant 0 : i32
          %dma_start3A_154 = arith.constant 0 : i32
          %dma_start3A_155 = tpu.memref_slice %arg8[%dma_start3A_152, %dma_start3A_153, %dma_start3A_154] : memref<2x125x128xf32, #tpu.memory_space<vmem>> -> memref<1x125x128xf32, #tpu.memory_space<vmem>>
          %dma_start3A_156 = tpu.memref_squeeze %dma_start3A_155 : memref<1x125x128xf32, #tpu.memory_space<vmem>> -> memref<125x128xf32, #tpu.memory_space<vmem>>
          %dma_start3A_157 = arith.constant 0 : i32
          %dma_start3A_158 = tpu.memref_slice %arg6[%sub3A_150, %dma_start3A_151, %dma_start3A_157] : memref<2x10x125xi32, #tpu.memory_space<vmem>> -> memref<1x1x125xi32, #tpu.memory_space<vmem>>
          %dma_start3A_159 = tpu.memref_squeeze %dma_start3A_158 : memref<1x1x125xi32, #tpu.memory_space<vmem>> -> memref<125xi32, #tpu.memory_space<vmem>>
          %dma_start3A_160 = arith.constant 0 : i32
          %dma_start3A_161 = arith.constant 0 : i32
          %dma_start3A_162 = tpu.memref_slice %arg2[%dma_start3A_160, %dma_start3A_161] : memref<10000x128xf32, #tpu.memory_space<hbm>> -> memref<10000x128xf32, #tpu.memory_space<hbm>>
          tpu.enqueue_indirect_dma source(%dma_start3A_162 : memref<10000x128xf32, #tpu.memory_space<hbm>>) target(%dma_start3A_156 : memref<125x128xf32, #tpu.memory_space<vmem>>) offsets(%dma_start3A_159 : memref<125xi32, #tpu.memory_space<vmem>>) semaphore(%arg10 : memref<!tpu.dma_semaphore, #tpu.memory_space<semaphore_mem>>)
        } else {
        }
        %dma_wait3A_96 = arith.constant 1 : i32
        %dma_wait3A_97 = arith.constant 0 : i32
        %dma_wait3A_98 = arith.constant 0 : i32
        %dma_wait3A_99 = tpu.memref_slice %arg8[%dma_wait3A_96, %dma_wait3A_97, %dma_wait3A_98] : memref<2x125x128xf32, #tpu.memory_space<vmem>> -> memref<1x125x128xf32, #tpu.memory_space<vmem>>
        %dma_wait3A_100 = tpu.memref_squeeze %dma_wait3A_99 : memref<1x125x128xf32, #tpu.memory_space<vmem>> -> memref<125x128xf32, #tpu.memory_space<vmem>>
        %dma_wait3A_101 = arith.constant 0 : i32
        %dma_wait3A_102 = tpu.memref_slice %arg6[%select_n3A_39, %add3A_55, %dma_wait3A_101] : memref<2x10x125xi32, #tpu.memory_space<vmem>> -> memref<1x1x125xi32, #tpu.memory_space<vmem>>
        %dma_wait3A_103 = tpu.memref_squeeze %dma_wait3A_102 : memref<1x1x125xi32, #tpu.memory_space<vmem>> -> memref<125xi32, #tpu.memory_space<vmem>>
        %dma_wait3A_104 = arith.constant 0 : i32
        %dma_wait3A_105 = arith.constant 0 : i32
        %dma_wait3A_106 = tpu.memref_slice %arg2[%dma_wait3A_104, %dma_wait3A_105] : memref<10000x128xf32, #tpu.memory_space<hbm>> -> memref<10000x128xf32, #tpu.memory_space<hbm>>
        tpu.wait_indirect_dma semaphore(%arg11 : memref<!tpu.dma_semaphore, #tpu.memory_space<semaphore_mem>>) src(%dma_wait3A_106 : memref<10000x128xf32, #tpu.memory_space<hbm>>) dst(%dma_wait3A_100 : memref<125x128xf32, #tpu.memory_space<vmem>>)
        %run_scoped3A_107 = arith.constant 1 : i32
        "tpu.region"() ({
          %run_scoped3A_108 = tpu.sem_alloc : memref<!tpu.dma_semaphore, #tpu.memory_space<semaphore_mem>>
          %dma_start3A_109 = arith.constant 0 : i32
          %dma_start3A_110 = arith.constant 0 : i32
          %dma_start3A_111 = tpu.memref_slice %arg8[%run_scoped3A_107, %dma_start3A_109, %dma_start3A_110] : memref<2x125x128xf32, #tpu.memory_space<vmem>> -> memref<1x125x128xf32, #tpu.memory_space<vmem>>
          %dma_start3A_112 = tpu.memref_squeeze %dma_start3A_111 : memref<1x125x128xf32, #tpu.memory_space<vmem>> -> memref<125x128xf32, #tpu.memory_space<vmem>>
          %dma_start3A_113 = arith.constant 0 : i32
          %dma_start3A_114 = tpu.memref_slice %arg7[%select_n3A_39, %add3A_55, %dma_start3A_113] : memref<2x10x125xi32, #tpu.memory_space<vmem>> -> memref<1x1x125xi32, #tpu.memory_space<vmem>>
          %dma_start3A_115 = tpu.memref_squeeze %dma_start3A_114 : memref<1x1x125xi32, #tpu.memory_space<vmem>> -> memref<125xi32, #tpu.memory_space<vmem>>
          %dma_start3A_116 = arith.constant 0 : i32
          %dma_start3A_117 = arith.constant 0 : i32
          %dma_start3A_118 = tpu.memref_slice %arg9[%dma_start3A_116, %dma_start3A_117] : memref<10112x128xf32, #tpu.memory_space<vmem_shared>> -> memref<10112x128xf32, #tpu.memory_space<vmem_shared>>
          tpu.enqueue_indirect_dma source(%dma_start3A_112 : memref<125x128xf32, #tpu.memory_space<vmem>>) target(%dma_start3A_118 : memref<10112x128xf32, #tpu.memory_space<vmem_shared>>) offsets(%dma_start3A_115 : memref<125xi32, #tpu.memory_space<vmem>>) semaphore(%run_scoped3A_108 : memref<!tpu.dma_semaphore, #tpu.memory_space<semaphore_mem>>) {add = true}
          %dma_wait3A_119 = arith.constant 0 : i32
          %dma_wait3A_120 = arith.constant 0 : i32
          %dma_wait3A_121 = tpu.memref_slice %arg8[%run_scoped3A_107, %dma_wait3A_119, %dma_wait3A_120] : memref<2x125x128xf32, #tpu.memory_space<vmem>> -> memref<1x125x128xf32, #tpu.memory_space<vmem>>
          %dma_wait3A_122 = tpu.memref_squeeze %dma_wait3A_121 : memref<1x125x128xf32, #tpu.memory_space<vmem>> -> memref<125x128xf32, #tpu.memory_space<vmem>>
          %dma_wait3A_123 = arith.constant 0 : i32
          %dma_wait3A_124 = tpu.memref_slice %arg7[%select_n3A_39, %add3A_55, %dma_wait3A_123] : memref<2x10x125xi32, #tpu.memory_space<vmem>> -> memref<1x1x125xi32, #tpu.memory_space<vmem>>
          %dma_wait3A_125 = tpu.memref_squeeze %dma_wait3A_124 : memref<1x1x125xi32, #tpu.memory_space<vmem>> -> memref<125xi32, #tpu.memory_space<vmem>>
          %dma_wait3A_126 = arith.constant 0 : i32
          %dma_wait3A_127 = arith.constant 0 : i32
          %dma_wait3A_128 = tpu.memref_slice %arg9[%dma_wait3A_126, %dma_wait3A_127] : memref<10112x128xf32, #tpu.memory_space<vmem_shared>> -> memref<10112x128xf32, #tpu.memory_space<vmem_shared>>
          tpu.wait_indirect_dma semaphore(%run_scoped3A_108 : memref<!tpu.dma_semaphore, #tpu.memory_space<semaphore_mem>>) src(%dma_wait3A_122 : memref<125x128xf32, #tpu.memory_space<vmem>>) dst(%dma_wait3A_128 : memref<10112x128xf32, #tpu.memory_space<vmem_shared>>)
          tpu.yield
        }) : () -> ()
      }
      %scan3A_50 = arith.constant 5 : i32
    }
    %scan3A_24 = arith.constant 8 : i32
    %barrier3A_25 = arith.constant 0 : index
    tpu.barrier barrier_id(%barrier3A_25)
    %mul3A_26 = arith.constant 632 : i32
    %mul3A_27 = arith.muli %arg1, %mul3A_26 : i32
    %mul3A_28 = arith.constant 632 : i32
    %mul3A_29 = arith.muli %arg1, %mul3A_28 : i32
    "tpu.region"() ({
      %run_scoped3A_30 = tpu.sem_alloc : memref<!tpu.dma_semaphore, #tpu.memory_space<semaphore_mem>>
      %dma_start3A_31 = arith.constant 0 : i32
      %dma_start3A_32 = tpu.memref_slice %arg5[%arg0, %mul3A_29, %dma_start3A_31] : memref<2x10112x128xf32, #tpu.memory_space<hbm>> -> memref<1x632x128xf32, #tpu.memory_space<hbm>>
      %dma_start3A_33 = tpu.memref_squeeze %dma_start3A_32 : memref<1x632x128xf32, #tpu.memory_space<hbm>> -> memref<632x128xf32, #tpu.memory_space<hbm>>
      %dma_start3A_34 = arith.constant 0 : i32
      %dma_start3A_35 = tpu.memref_slice %arg9[%mul3A_27, %dma_start3A_34] : memref<10112x128xf32, #tpu.memory_space<vmem_shared>> -> memref<632x128xf32, #tpu.memory_space<vmem_shared>>
      tpu.enqueue_dma source(%dma_start3A_35 : memref<632x128xf32, #tpu.memory_space<vmem_shared>>) target(%dma_start3A_33 : memref<632x128xf32, #tpu.memory_space<hbm>>) target_semaphore(%run_scoped3A_30 : memref<!tpu.dma_semaphore, #tpu.memory_space<semaphore_mem>>)
      %dma_wait3A = arith.constant 0 : i32
      %dma_wait3A_36 = tpu.memref_slice %arg5[%arg0, %mul3A_29, %dma_wait3A] : memref<2x10112x128xf32, #tpu.memory_space<hbm>> -> memref<1x632x128xf32, #tpu.memory_space<hbm>>
      %dma_wait3A_37 = tpu.memref_squeeze %dma_wait3A_36 : memref<1x632x128xf32, #tpu.memory_space<hbm>> -> memref<632x128xf32, #tpu.memory_space<hbm>>
      %dma_wait3A_38 = arith.constant 0 : i32
      %dma_wait3A_39 = tpu.memref_slice %arg9[%mul3A_27, %dma_wait3A_38] : memref<10112x128xf32, #tpu.memory_space<vmem_shared>> -> memref<632x128xf32, #tpu.memory_space<vmem_shared>>
      tpu.wait_dma2 semaphore(%run_scoped3A_30 : memref<!tpu.dma_semaphore, #tpu.memory_space<semaphore_mem>>) src(%dma_wait3A_39 : memref<632x128xf32, #tpu.memory_space<vmem_shared>>) dst(%dma_wait3A_37 : memref<632x128xf32, #tpu.memory_space<hbm>>)
      tpu.yield
    }) : () -> ()
    return
  }
}

#map = affine_map<(d0, d1) -> (0, 0)>
#map1 = affine_map<(d0, d1) -> (0, 0, 0, 0, 0)>
#map2 = affine_map<(d0, d1) -> (0, 0, 0)>
module attributes {stable_mosaic.version = 14 : i64} {
  func.func @seg(%arg0: i32, %arg1: i32, %arg2: memref<10000x128xf32, #tpu.memory_space<hbm>>, %arg3: memref<2x32x8x10x125xi32, #tpu.memory_space<hbm>>, %arg4: memref<632x128xf32, #tpu.memory_space<hbm>>, %arg5: memref<125x16xf32, #tpu.memory_space<hbm>>, %arg6: memref<632x16xf32, #tpu.memory_space<hbm>>, %arg7: memref<2x10112x128xf32, #tpu.memory_space<hbm>>, %arg8: memref<2x10112x16xf32, #tpu.memory_space<hbm>>, %arg9: memref<2x10x125xi32, #tpu.memory_space<vmem>>, %arg10: memref<2x10x125xi32, #tpu.memory_space<vmem>>, %arg11: memref<2x125x128xf32, #tpu.memory_space<vmem>>, %arg12: memref<10112x128xf32, #tpu.memory_space<vmem_shared>>, %arg13: memref<!tpu.dma_semaphore, #tpu.memory_space<semaphore_mem>>, %arg14: memref<!tpu.dma_semaphore, #tpu.memory_space<semaphore_mem>>, %arg15: memref<!tpu.dma_semaphore, #tpu.memory_space<semaphore_mem>>, %arg16: memref<125x16xf32, #tpu.memory_space<vmem>>, %arg17: memref<10112x16xf32, #tpu.memory_space<vmem_shared>>, %arg18: memref<!tpu.dma_semaphore, #tpu.memory_space<semaphore_mem>>) attributes {dimension_semantics = [#tpu.dimension_semantics<core_parallel>, #tpu.dimension_semantics<subcore_parallel>], iteration_bounds = array<i64: 2, 16>, scalar_prefetch = 0 : i64, scratch_operands = 10 : i64, tpu.core_type = #tpu.core_type<sc_vector_subcore>, window_params = [{transform_indices = #map}, {transform_indices = #map1}, {transform_indices = #map}, {transform_indices = #map}, {transform_indices = #map}, {transform_indices = #map2}, {transform_indices = #map2}]} {
    %mul3A = arith.constant 16 : i32
    %mul3A_0 = arith.muli %arg0, %mul3A : i32
    %add3A = arith.addi %mul3A_0, %arg1 : i32
    %mul3A_1 = arith.constant 632 : i32
    %mul3A_2 = arith.muli %arg1, %mul3A_1 : i32
    "tpu.region"() ({
      %run_scoped3A_42 = tpu.sem_alloc : memref<!tpu.dma_semaphore, #tpu.memory_space<semaphore_mem>>
      %dma_start3A_43 = arith.constant 0 : i32
      %dma_start3A_44 = tpu.memref_slice %arg12[%mul3A_2, %dma_start3A_43] : memref<10112x128xf32, #tpu.memory_space<vmem_shared>> -> memref<632x128xf32, #tpu.memory_space<vmem_shared>>
      tpu.enqueue_dma source(%arg4 : memref<632x128xf32, #tpu.memory_space<hbm>>) target(%dma_start3A_44 : memref<632x128xf32, #tpu.memory_space<vmem_shared>>) target_semaphore(%run_scoped3A_42 : memref<!tpu.dma_semaphore, #tpu.memory_space<semaphore_mem>>)
      %dma_wait3A = arith.constant 0 : i32
      %dma_wait3A_45 = tpu.memref_slice %arg12[%mul3A_2, %dma_wait3A] : memref<10112x128xf32, #tpu.memory_space<vmem_shared>> -> memref<632x128xf32, #tpu.memory_space<vmem_shared>>
      tpu.wait_dma2 semaphore(%run_scoped3A_42 : memref<!tpu.dma_semaphore, #tpu.memory_space<semaphore_mem>>) src(%arg4 : memref<632x128xf32, #tpu.memory_space<hbm>>) dst(%dma_wait3A_45 : memref<632x128xf32, #tpu.memory_space<vmem_shared>>)
      tpu.yield
    }) : () -> ()
    %mul3A_3 = arith.constant 632 : i32
    %mul3A_4 = arith.muli %arg1, %mul3A_3 : i32
    "tpu.region"() ({
      %run_scoped3A_42 = tpu.sem_alloc : memref<!tpu.dma_semaphore, #tpu.memory_space<semaphore_mem>>
      %dma_start3A_43 = arith.constant 0 : i32
      %dma_start3A_44 = tpu.memref_slice %arg17[%mul3A_4, %dma_start3A_43] : memref<10112x16xf32, #tpu.memory_space<vmem_shared>> -> memref<632x16xf32, #tpu.memory_space<vmem_shared>>
      tpu.enqueue_dma source(%arg6 : memref<632x16xf32, #tpu.memory_space<hbm>>) target(%dma_start3A_44 : memref<632x16xf32, #tpu.memory_space<vmem_shared>>) target_semaphore(%run_scoped3A_42 : memref<!tpu.dma_semaphore, #tpu.memory_space<semaphore_mem>>)
      %dma_wait3A = arith.constant 0 : i32
      %dma_wait3A_45 = tpu.memref_slice %arg17[%mul3A_4, %dma_wait3A] : memref<10112x16xf32, #tpu.memory_space<vmem_shared>> -> memref<632x16xf32, #tpu.memory_space<vmem_shared>>
      tpu.wait_dma2 semaphore(%run_scoped3A_42 : memref<!tpu.dma_semaphore, #tpu.memory_space<semaphore_mem>>) src(%arg6 : memref<632x16xf32, #tpu.memory_space<hbm>>) dst(%dma_wait3A_45 : memref<632x16xf32, #tpu.memory_space<vmem_shared>>)
      tpu.yield
    }) : () -> ()
    "tpu.region"() ({
      %run_scoped3A_42 = tpu.sem_alloc : memref<!tpu.dma_semaphore, #tpu.memory_space<semaphore_mem>>
      tpu.enqueue_dma source(%arg5 : memref<125x16xf32, #tpu.memory_space<hbm>>) target(%arg16 : memref<125x16xf32, #tpu.memory_space<vmem>>) target_semaphore(%run_scoped3A_42 : memref<!tpu.dma_semaphore, #tpu.memory_space<semaphore_mem>>)
      tpu.wait_dma2 semaphore(%run_scoped3A_42 : memref<!tpu.dma_semaphore, #tpu.memory_space<semaphore_mem>>) src(%arg5 : memref<125x16xf32, #tpu.memory_space<hbm>>) dst(%arg16 : memref<125x16xf32, #tpu.memory_space<vmem>>)
      tpu.yield
    }) : () -> ()
    %run_scoped3A = arith.constant 0 : i32
    %run_scoped3A_5 = arith.constant 0 : i32
    %run_scoped3A_6 = arith.constant 0 : i32
    "tpu.region"() ({
      %run_scoped3A_42 = tpu.sem_alloc : memref<!tpu.dma_semaphore, #tpu.memory_space<semaphore_mem>>
      %dma_start3A_43 = arith.constant 0 : i32
      %dma_start3A_44 = arith.constant 0 : i32
      %dma_start3A_45 = tpu.memref_slice %arg9[%run_scoped3A_6, %dma_start3A_43, %dma_start3A_44] : memref<2x10x125xi32, #tpu.memory_space<vmem>> -> memref<1x10x125xi32, #tpu.memory_space<vmem>>
      %dma_start3A_46 = tpu.memref_squeeze %dma_start3A_45 : memref<1x10x125xi32, #tpu.memory_space<vmem>> -> memref<10x125xi32, #tpu.memory_space<vmem>>
      %dma_start3A_47 = arith.constant 0 : i32
      %dma_start3A_48 = arith.constant 0 : i32
      %dma_start3A_49 = tpu.memref_slice %arg3[%run_scoped3A, %add3A, %run_scoped3A_5, %dma_start3A_47, %dma_start3A_48] : memref<2x32x8x10x125xi32, #tpu.memory_space<hbm>> -> memref<1x1x1x10x125xi32, #tpu.memory_space<hbm>>
      %dma_start3A_50 = tpu.memref_squeeze %dma_start3A_49 : memref<1x1x1x10x125xi32, #tpu.memory_space<hbm>> -> memref<10x125xi32, #tpu.memory_space<hbm>>
      %dma_start3A_51 = arith.constant 0 : i32
      %dma_start3A_52 = arith.constant 0 : i32
      %dma_start3A_53 = tpu.memref_slice %arg9[%run_scoped3A_6, %dma_start3A_51, %dma_start3A_52] : memref<2x10x125xi32, #tpu.memory_space<vmem>> -> memref<1x10x125xi32, #tpu.memory_space<vmem>>
      %dma_start3A_54 = tpu.memref_squeeze %dma_start3A_53 : memref<1x10x125xi32, #tpu.memory_space<vmem>> -> memref<10x125xi32, #tpu.memory_space<vmem>>
      %dma_start3A_55 = arith.constant 0 : i32
      %dma_start3A_56 = arith.constant 0 : i32
      %dma_start3A_57 = tpu.memref_slice %arg3[%run_scoped3A, %add3A, %run_scoped3A_5, %dma_start3A_55, %dma_start3A_56] : memref<2x32x8x10x125xi32, #tpu.memory_space<hbm>> -> memref<1x1x1x10x125xi32, #tpu.memory_space<hbm>>
      %dma_start3A_58 = tpu.memref_squeeze %dma_start3A_57 : memref<1x1x1x10x125xi32, #tpu.memory_space<hbm>> -> memref<10x125xi32, #tpu.memory_space<hbm>>
      tpu.enqueue_dma source(%dma_start3A_58 : memref<10x125xi32, #tpu.memory_space<hbm>>) target(%dma_start3A_54 : memref<10x125xi32, #tpu.memory_space<vmem>>) target_semaphore(%run_scoped3A_42 : memref<!tpu.dma_semaphore, #tpu.memory_space<semaphore_mem>>)
      %dma_wait3A = arith.constant 0 : i32
      %dma_wait3A_59 = arith.constant 0 : i32
      %dma_wait3A_60 = tpu.memref_slice %arg9[%run_scoped3A_6, %dma_wait3A, %dma_wait3A_59] : memref<2x10x125xi32, #tpu.memory_space<vmem>> -> memref<1x10x125xi32, #tpu.memory_space<vmem>>
      %dma_wait3A_61 = tpu.memref_squeeze %dma_wait3A_60 : memref<1x10x125xi32, #tpu.memory_space<vmem>> -> memref<10x125xi32, #tpu.memory_space<vmem>>
      %dma_wait3A_62 = arith.constant 0 : i32
      %dma_wait3A_63 = arith.constant 0 : i32
      %dma_wait3A_64 = tpu.memref_slice %arg3[%run_scoped3A, %add3A, %run_scoped3A_5, %dma_wait3A_62, %dma_wait3A_63] : memref<2x32x8x10x125xi32, #tpu.memory_space<hbm>> -> memref<1x1x1x10x125xi32, #tpu.memory_space<hbm>>
      %dma_wait3A_65 = tpu.memref_squeeze %dma_wait3A_64 : memref<1x1x1x10x125xi32, #tpu.memory_space<hbm>> -> memref<10x125xi32, #tpu.memory_space<hbm>>
      %dma_wait3A_66 = arith.constant 0 : i32
      %dma_wait3A_67 = arith.constant 0 : i32
      %dma_wait3A_68 = tpu.memref_slice %arg9[%run_scoped3A_6, %dma_wait3A_66, %dma_wait3A_67] : memref<2x10x125xi32, #tpu.memory_space<vmem>> -> memref<1x10x125xi32, #tpu.memory_space<vmem>>
      %dma_wait3A_69 = tpu.memref_squeeze %dma_wait3A_68 : memref<1x10x125xi32, #tpu.memory_space<vmem>> -> memref<10x125xi32, #tpu.memory_space<vmem>>
      %dma_wait3A_70 = arith.constant 0 : i32
      %dma_wait3A_71 = arith.constant 0 : i32
      %dma_wait3A_72 = tpu.memref_slice %arg3[%run_scoped3A, %add3A, %run_scoped3A_5, %dma_wait3A_70, %dma_wait3A_71] : memref<2x32x8x10x125xi32, #tpu.memory_space<hbm>> -> memref<1x1x1x10x125xi32, #tpu.memory_space<hbm>>
      %dma_wait3A_73 = tpu.memref_squeeze %dma_wait3A_72 : memref<1x1x1x10x125xi32, #tpu.memory_space<hbm>> -> memref<10x125xi32, #tpu.memory_space<hbm>>
      tpu.wait_dma2 semaphore(%run_scoped3A_42 : memref<!tpu.dma_semaphore, #tpu.memory_space<semaphore_mem>>) src(%dma_wait3A_73 : memref<10x125xi32, #tpu.memory_space<hbm>>) dst(%dma_wait3A_69 : memref<10x125xi32, #tpu.memory_space<vmem>>)
      tpu.yield
    }) : () -> ()
    %run_scoped3A_7 = arith.constant 1 : i32
    %run_scoped3A_8 = arith.constant 0 : i32
    %run_scoped3A_9 = arith.constant 0 : i32
    "tpu.region"() ({
      %run_scoped3A_42 = tpu.sem_alloc : memref<!tpu.dma_semaphore, #tpu.memory_space<semaphore_mem>>
      %dma_start3A_43 = arith.constant 0 : i32
      %dma_start3A_44 = arith.constant 0 : i32
      %dma_start3A_45 = tpu.memref_slice %arg10[%run_scoped3A_9, %dma_start3A_43, %dma_start3A_44] : memref<2x10x125xi32, #tpu.memory_space<vmem>> -> memref<1x10x125xi32, #tpu.memory_space<vmem>>
      %dma_start3A_46 = tpu.memref_squeeze %dma_start3A_45 : memref<1x10x125xi32, #tpu.memory_space<vmem>> -> memref<10x125xi32, #tpu.memory_space<vmem>>
      %dma_start3A_47 = arith.constant 0 : i32
      %dma_start3A_48 = arith.constant 0 : i32
      %dma_start3A_49 = tpu.memref_slice %arg3[%run_scoped3A_7, %add3A, %run_scoped3A_8, %dma_start3A_47, %dma_start3A_48] : memref<2x32x8x10x125xi32, #tpu.memory_space<hbm>> -> memref<1x1x1x10x125xi32, #tpu.memory_space<hbm>>
      %dma_start3A_50 = tpu.memref_squeeze %dma_start3A_49 : memref<1x1x1x10x125xi32, #tpu.memory_space<hbm>> -> memref<10x125xi32, #tpu.memory_space<hbm>>
      %dma_start3A_51 = arith.constant 0 : i32
      %dma_start3A_52 = arith.constant 0 : i32
      %dma_start3A_53 = tpu.memref_slice %arg10[%run_scoped3A_9, %dma_start3A_51, %dma_start3A_52] : memref<2x10x125xi32, #tpu.memory_space<vmem>> -> memref<1x10x125xi32, #tpu.memory_space<vmem>>
      %dma_start3A_54 = tpu.memref_squeeze %dma_start3A_53 : memref<1x10x125xi32, #tpu.memory_space<vmem>> -> memref<10x125xi32, #tpu.memory_space<vmem>>
      %dma_start3A_55 = arith.constant 0 : i32
      %dma_start3A_56 = arith.constant 0 : i32
      %dma_start3A_57 = tpu.memref_slice %arg3[%run_scoped3A_7, %add3A, %run_scoped3A_8, %dma_start3A_55, %dma_start3A_56] : memref<2x32x8x10x125xi32, #tpu.memory_space<hbm>> -> memref<1x1x1x10x125xi32, #tpu.memory_space<hbm>>
      %dma_start3A_58 = tpu.memref_squeeze %dma_start3A_57 : memref<1x1x1x10x125xi32, #tpu.memory_space<hbm>> -> memref<10x125xi32, #tpu.memory_space<hbm>>
      tpu.enqueue_dma source(%dma_start3A_58 : memref<10x125xi32, #tpu.memory_space<hbm>>) target(%dma_start3A_54 : memref<10x125xi32, #tpu.memory_space<vmem>>) target_semaphore(%run_scoped3A_42 : memref<!tpu.dma_semaphore, #tpu.memory_space<semaphore_mem>>)
      %dma_wait3A = arith.constant 0 : i32
      %dma_wait3A_59 = arith.constant 0 : i32
      %dma_wait3A_60 = tpu.memref_slice %arg10[%run_scoped3A_9, %dma_wait3A, %dma_wait3A_59] : memref<2x10x125xi32, #tpu.memory_space<vmem>> -> memref<1x10x125xi32, #tpu.memory_space<vmem>>
      %dma_wait3A_61 = tpu.memref_squeeze %dma_wait3A_60 : memref<1x10x125xi32, #tpu.memory_space<vmem>> -> memref<10x125xi32, #tpu.memory_space<vmem>>
      %dma_wait3A_62 = arith.constant 0 : i32
      %dma_wait3A_63 = arith.constant 0 : i32
      %dma_wait3A_64 = tpu.memref_slice %arg3[%run_scoped3A_7, %add3A, %run_scoped3A_8, %dma_wait3A_62, %dma_wait3A_63] : memref<2x32x8x10x125xi32, #tpu.memory_space<hbm>> -> memref<1x1x1x10x125xi32, #tpu.memory_space<hbm>>
      %dma_wait3A_65 = tpu.memref_squeeze %dma_wait3A_64 : memref<1x1x1x10x125xi32, #tpu.memory_space<hbm>> -> memref<10x125xi32, #tpu.memory_space<hbm>>
      %dma_wait3A_66 = arith.constant 0 : i32
      %dma_wait3A_67 = arith.constant 0 : i32
      %dma_wait3A_68 = tpu.memref_slice %arg10[%run_scoped3A_9, %dma_wait3A_66, %dma_wait3A_67] : memref<2x10x125xi32, #tpu.memory_space<vmem>> -> memref<1x10x125xi32, #tpu.memory_space<vmem>>
      %dma_wait3A_69 = tpu.memref_squeeze %dma_wait3A_68 : memref<1x10x125xi32, #tpu.memory_space<vmem>> -> memref<10x125xi32, #tpu.memory_space<vmem>>
      %dma_wait3A_70 = arith.constant 0 : i32
      %dma_wait3A_71 = arith.constant 0 : i32
      %dma_wait3A_72 = tpu.memref_slice %arg3[%run_scoped3A_7, %add3A, %run_scoped3A_8, %dma_wait3A_70, %dma_wait3A_71] : memref<2x32x8x10x125xi32, #tpu.memory_space<hbm>> -> memref<1x1x1x10x125xi32, #tpu.memory_space<hbm>>
      %dma_wait3A_73 = tpu.memref_squeeze %dma_wait3A_72 : memref<1x1x1x10x125xi32, #tpu.memory_space<hbm>> -> memref<10x125xi32, #tpu.memory_space<hbm>>
      tpu.wait_dma2 semaphore(%run_scoped3A_42 : memref<!tpu.dma_semaphore, #tpu.memory_space<semaphore_mem>>) src(%dma_wait3A_73 : memref<10x125xi32, #tpu.memory_space<hbm>>) dst(%dma_wait3A_69 : memref<10x125xi32, #tpu.memory_space<vmem>>)
      tpu.yield
    }) : () -> ()
    %barrier3A = arith.constant 0 : index
    tpu.barrier barrier_id(%barrier3A)
    %dma_start3A = arith.constant 0 : i32
    %dma_start3A_10 = arith.constant 0 : i32
    %dma_start3A_11 = arith.constant 0 : i32
    %dma_start3A_12 = arith.constant 0 : i32
    %dma_start3A_13 = arith.constant 0 : i32
    %dma_start3A_14 = tpu.memref_slice %arg11[%dma_start3A_11, %dma_start3A_12, %dma_start3A_13] : memref<2x125x128xf32, #tpu.memory_space<vmem>> -> memref<1x125x128xf32, #tpu.memory_space<vmem>>
    %dma_start3A_15 = tpu.memref_squeeze %dma_start3A_14 : memref<1x125x128xf32, #tpu.memory_space<vmem>> -> memref<125x128xf32, #tpu.memory_space<vmem>>
    %dma_start3A_16 = arith.constant 0 : i32
    %dma_start3A_17 = tpu.memref_slice %arg9[%dma_start3A, %dma_start3A_10, %dma_start3A_16] : memref<2x10x125xi32, #tpu.memory_space<vmem>> -> memref<1x1x125xi32, #tpu.memory_space<vmem>>
    %dma_start3A_18 = tpu.memref_squeeze %dma_start3A_17 : memref<1x1x125xi32, #tpu.memory_space<vmem>> -> memref<125xi32, #tpu.memory_space<vmem>>
    %dma_start3A_19 = arith.constant 0 : i32
    %dma_start3A_20 = arith.constant 0 : i32
    %dma_start3A_21 = tpu.memref_slice %arg2[%dma_start3A_19, %dma_start3A_20] : memref<10000x128xf32, #tpu.memory_space<hbm>> -> memref<10000x128xf32, #tpu.memory_space<hbm>>
    tpu.enqueue_indirect_dma source(%dma_start3A_21 : memref<10000x128xf32, #tpu.memory_space<hbm>>) target(%dma_start3A_15 : memref<125x128xf32, #tpu.memory_space<vmem>>) offsets(%dma_start3A_18 : memref<125xi32, #tpu.memory_space<vmem>>) semaphore(%arg13 : memref<!tpu.dma_semaphore, #tpu.memory_space<semaphore_mem>>)
    %scan3A = arith.constant 0 : i32
    %scan3A_22 = arith.constant 0 : i32
    %scan3A_23 = arith.constant 8 : i32
    %scan3A_24 = arith.addi %scan3A_22, %scan3A_23 : i32
    %scan3A_25 = arith.constant 1 : i32
    scf.for %scan3A_42 = %scan3A_22 to %scan3A_24 step %scan3A_25  : i32 {
      %jit3A = arith.constant 2 : i32
      %eq3A = arith.constant 0 : i32
      %eq3A_43 = arith.cmpi eq, %jit3A, %eq3A : i32
      %jit3A_44 = arith.constant 1 : i32
      %select_n3A = arith.select %eq3A_43, %jit3A_44, %jit3A : i32
      %rem3A = arith.remsi %scan3A_42, %select_n3A : i32
      %ne3A = arith.constant 0 : i32
      %ne3A_45 = arith.cmpi ne, %rem3A, %ne3A : i32
      %lt3A = arith.constant 0 : i32
      %lt3A_46 = arith.cmpi slt, %rem3A, %lt3A : i32
      %lt3A_47 = arith.constant 0 : i32
      %lt3A_48 = arith.cmpi slt, %select_n3A, %lt3A_47 : i32
      %ne3A_49 = arith.xori %lt3A_46, %lt3A_48 : i1
      %and3A = arith.andi %ne3A_49, %ne3A_45 : i1
      %add3A_50 = arith.addi %rem3A, %select_n3A : i32
      %select_n3A_51 = arith.select %and3A, %add3A_50, %rem3A : i32
      %gt3A = arith.constant 0 : i32
      %gt3A_52 = arith.cmpi sgt, %scan3A_42, %gt3A : i32
      %convert_element_type3A = arith.extui %gt3A_52 : i1 to i32
      %cond3A = arith.constant 0 : i32
      %cond3A_53 = arith.cmpi ne, %convert_element_type3A, %cond3A : i32
      scf.if %cond3A_53 {
        %scan3A_67 = arith.constant 0 : i32
        %scan3A_68 = arith.constant 0 : i32
        %scan3A_69 = arith.constant 10 : i32
        %scan3A_70 = arith.addi %scan3A_68, %scan3A_69 : i32
        %scan3A_71 = arith.constant 1 : i32
        scf.for %scan3A_73 = %scan3A_68 to %scan3A_70 step %scan3A_71  : i32 {
          %dma_wait3A = arith.constant 0 : i32
          %dma_wait3A_74 = arith.constant 0 : i32
          %dma_wait3A_75 = arith.constant 0 : i32
          %dma_wait3A_76 = tpu.memref_slice %arg10[%dma_wait3A, %dma_wait3A_74, %dma_wait3A_75] : memref<2x10x125xi32, #tpu.memory_space<vmem>> -> memref<1x1x125xi32, #tpu.memory_space<vmem>>
          %dma_wait3A_77 = tpu.memref_squeeze %dma_wait3A_76 : memref<1x1x125xi32, #tpu.memory_space<vmem>> -> memref<125xi32, #tpu.memory_space<vmem>>
          %dma_wait3A_78 = arith.constant 0 : i32
          %dma_wait3A_79 = arith.constant 0 : i32
          %dma_wait3A_80 = tpu.memref_slice %arg17[%dma_wait3A_78, %dma_wait3A_79] : memref<10112x16xf32, #tpu.memory_space<vmem_shared>> -> memref<10112x16xf32, #tpu.memory_space<vmem_shared>>
          tpu.wait_indirect_dma semaphore(%arg18 : memref<!tpu.dma_semaphore, #tpu.memory_space<semaphore_mem>>) src(%arg16 : memref<125x16xf32, #tpu.memory_space<vmem>>) dst(%dma_wait3A_80 : memref<10112x16xf32, #tpu.memory_space<vmem_shared>>)
        }
        %scan3A_72 = arith.constant 10 : i32
      } else {
      }
      %add3A_54 = arith.constant 1 : i32
      %add3A_55 = arith.addi %scan3A_42, %add3A_54 : i32
      %lt3A_56 = arith.constant 8 : i32
      %lt3A_57 = arith.cmpi slt, %add3A_55, %lt3A_56 : i32
      %convert_element_type3A_58 = arith.extui %lt3A_57 : i1 to i32
      %cond3A_59 = arith.constant 0 : i32
      %cond3A_60 = arith.cmpi ne, %convert_element_type3A_58, %cond3A_59 : i32
      scf.if %cond3A_60 {
        %add3A_67 = arith.constant 1 : i32
        %add3A_68 = arith.addi %scan3A_42, %add3A_67 : i32
        %sub3A = arith.constant 1 : i32
        %sub3A_69 = arith.subi %sub3A, %select_n3A_51 : i32
        %dma_start3A_70 = arith.constant 0 : i32
        %dma_start3A_71 = arith.constant 0 : i32
        %dma_start3A_72 = arith.constant 0 : i32
        %dma_start3A_73 = tpu.memref_slice %arg9[%sub3A_69, %dma_start3A_71, %dma_start3A_72] : memref<2x10x125xi32, #tpu.memory_space<vmem>> -> memref<1x10x125xi32, #tpu.memory_space<vmem>>
        %dma_start3A_74 = tpu.memref_squeeze %dma_start3A_73 : memref<1x10x125xi32, #tpu.memory_space<vmem>> -> memref<10x125xi32, #tpu.memory_space<vmem>>
        %dma_start3A_75 = arith.constant 0 : i32
        %dma_start3A_76 = arith.constant 0 : i32
        %dma_start3A_77 = tpu.memref_slice %arg3[%dma_start3A_70, %add3A, %add3A_68, %dma_start3A_75, %dma_start3A_76] : memref<2x32x8x10x125xi32, #tpu.memory_space<hbm>> -> memref<1x1x1x10x125xi32, #tpu.memory_space<hbm>>
        %dma_start3A_78 = tpu.memref_squeeze %dma_start3A_77 : memref<1x1x1x10x125xi32, #tpu.memory_space<hbm>> -> memref<10x125xi32, #tpu.memory_space<hbm>>
        %dma_start3A_79 = arith.constant 0 : i32
        %dma_start3A_80 = arith.constant 0 : i32
        %dma_start3A_81 = tpu.memref_slice %arg9[%sub3A_69, %dma_start3A_79, %dma_start3A_80] : memref<2x10x125xi32, #tpu.memory_space<vmem>> -> memref<1x10x125xi32, #tpu.memory_space<vmem>>
        %dma_start3A_82 = tpu.memref_squeeze %dma_start3A_81 : memref<1x10x125xi32, #tpu.memory_space<vmem>> -> memref<10x125xi32, #tpu.memory_space<vmem>>
        %dma_start3A_83 = arith.constant 0 : i32
        %dma_start3A_84 = arith.constant 0 : i32
        %dma_start3A_85 = tpu.memref_slice %arg3[%dma_start3A_70, %add3A, %add3A_68, %dma_start3A_83, %dma_start3A_84] : memref<2x32x8x10x125xi32, #tpu.memory_space<hbm>> -> memref<1x1x1x10x125xi32, #tpu.memory_space<hbm>>
        %dma_start3A_86 = tpu.memref_squeeze %dma_start3A_85 : memref<1x1x1x10x125xi32, #tpu.memory_space<hbm>> -> memref<10x125xi32, #tpu.memory_space<hbm>>
        tpu.enqueue_dma source(%dma_start3A_86 : memref<10x125xi32, #tpu.memory_space<hbm>>) target(%dma_start3A_82 : memref<10x125xi32, #tpu.memory_space<vmem>>) target_semaphore(%arg15 : memref<!tpu.dma_semaphore, #tpu.memory_space<semaphore_mem>>)
        %add3A_87 = arith.constant 1 : i32
        %add3A_88 = arith.addi %scan3A_42, %add3A_87 : i32
        %sub3A_89 = arith.constant 1 : i32
        %sub3A_90 = arith.subi %sub3A_89, %select_n3A_51 : i32
        %dma_start3A_91 = arith.constant 1 : i32
        %dma_start3A_92 = arith.constant 0 : i32
        %dma_start3A_93 = arith.constant 0 : i32
        %dma_start3A_94 = tpu.memref_slice %arg10[%sub3A_90, %dma_start3A_92, %dma_start3A_93] : memref<2x10x125xi32, #tpu.memory_space<vmem>> -> memref<1x10x125xi32, #tpu.memory_space<vmem>>
        %dma_start3A_95 = tpu.memref_squeeze %dma_start3A_94 : memref<1x10x125xi32, #tpu.memory_space<vmem>> -> memref<10x125xi32, #tpu.memory_space<vmem>>
        %dma_start3A_96 = arith.constant 0 : i32
        %dma_start3A_97 = arith.constant 0 : i32
        %dma_start3A_98 = tpu.memref_slice %arg3[%dma_start3A_91, %add3A, %add3A_88, %dma_start3A_96, %dma_start3A_97] : memref<2x32x8x10x125xi32, #tpu.memory_space<hbm>> -> memref<1x1x1x10x125xi32, #tpu.memory_space<hbm>>
        %dma_start3A_99 = tpu.memref_squeeze %dma_start3A_98 : memref<1x1x1x10x125xi32, #tpu.memory_space<hbm>> -> memref<10x125xi32, #tpu.memory_space<hbm>>
        %dma_start3A_100 = arith.constant 0 : i32
        %dma_start3A_101 = arith.constant 0 : i32
        %dma_start3A_102 = tpu.memref_slice %arg10[%sub3A_90, %dma_start3A_100, %dma_start3A_101] : memref<2x10x125xi32, #tpu.memory_space<vmem>> -> memref<1x10x125xi32, #tpu.memory_space<vmem>>
        %dma_start3A_103 = tpu.memref_squeeze %dma_start3A_102 : memref<1x10x125xi32, #tpu.memory_space<vmem>> -> memref<10x125xi32, #tpu.memory_space<vmem>>
        %dma_start3A_104 = arith.constant 0 : i32
        %dma_start3A_105 = arith.constant 0 : i32
        %dma_start3A_106 = tpu.memref_slice %arg3[%dma_start3A_91, %add3A, %add3A_88, %dma_start3A_104, %dma_start3A_105] : memref<2x32x8x10x125xi32, #tpu.memory_space<hbm>> -> memref<1x1x1x10x125xi32, #tpu.memory_space<hbm>>
        %dma_start3A_107 = tpu.memref_squeeze %dma_start3A_106 : memref<1x1x1x10x125xi32, #tpu.memory_space<hbm>> -> memref<10x125xi32, #tpu.memory_space<hbm>>
        tpu.enqueue_dma source(%dma_start3A_107 : memref<10x125xi32, #tpu.memory_space<hbm>>) target(%dma_start3A_103 : memref<10x125xi32, #tpu.memory_space<vmem>>) target_semaphore(%arg15 : memref<!tpu.dma_semaphore, #tpu.memory_space<semaphore_mem>>)
      } else {
      }
      %scan3A_61 = arith.constant 0 : i32
      %scan3A_62 = arith.constant 0 : i32
      %scan3A_63 = arith.constant 5 : i32
      %scan3A_64 = arith.addi %scan3A_62, %scan3A_63 : i32
      %scan3A_65 = arith.constant 1 : i32
      scf.for %scan3A_67 = %scan3A_62 to %scan3A_64 step %scan3A_65  : i32 {
        %mul3A_68 = arith.constant 2 : i32
        %mul3A_69 = arith.muli %mul3A_68, %scan3A_67 : i32
        %add3A_70 = arith.constant 1 : i32
        %add3A_71 = arith.addi %mul3A_69, %add3A_70 : i32
        %dma_start3A_72 = arith.constant 1 : i32
        %dma_start3A_73 = arith.constant 0 : i32
        %dma_start3A_74 = arith.constant 0 : i32
        %dma_start3A_75 = tpu.memref_slice %arg11[%dma_start3A_72, %dma_start3A_73, %dma_start3A_74] : memref<2x125x128xf32, #tpu.memory_space<vmem>> -> memref<1x125x128xf32, #tpu.memory_space<vmem>>
        %dma_start3A_76 = tpu.memref_squeeze %dma_start3A_75 : memref<1x125x128xf32, #tpu.memory_space<vmem>> -> memref<125x128xf32, #tpu.memory_space<vmem>>
        %dma_start3A_77 = arith.constant 0 : i32
        %dma_start3A_78 = tpu.memref_slice %arg9[%select_n3A_51, %add3A_71, %dma_start3A_77] : memref<2x10x125xi32, #tpu.memory_space<vmem>> -> memref<1x1x125xi32, #tpu.memory_space<vmem>>
        %dma_start3A_79 = tpu.memref_squeeze %dma_start3A_78 : memref<1x1x125xi32, #tpu.memory_space<vmem>> -> memref<125xi32, #tpu.memory_space<vmem>>
        %dma_start3A_80 = arith.constant 0 : i32
        %dma_start3A_81 = arith.constant 0 : i32
        %dma_start3A_82 = tpu.memref_slice %arg2[%dma_start3A_80, %dma_start3A_81] : memref<10000x128xf32, #tpu.memory_space<hbm>> -> memref<10000x128xf32, #tpu.memory_space<hbm>>
        tpu.enqueue_indirect_dma source(%dma_start3A_82 : memref<10000x128xf32, #tpu.memory_space<hbm>>) target(%dma_start3A_76 : memref<125x128xf32, #tpu.memory_space<vmem>>) offsets(%dma_start3A_79 : memref<125xi32, #tpu.memory_space<vmem>>) semaphore(%arg14 : memref<!tpu.dma_semaphore, #tpu.memory_space<semaphore_mem>>)
        %dma_wait3A = arith.constant 0 : i32
        %dma_wait3A_83 = arith.constant 0 : i32
        %dma_wait3A_84 = arith.constant 0 : i32
        %dma_wait3A_85 = tpu.memref_slice %arg11[%dma_wait3A, %dma_wait3A_83, %dma_wait3A_84] : memref<2x125x128xf32, #tpu.memory_space<vmem>> -> memref<1x125x128xf32, #tpu.memory_space<vmem>>
        %dma_wait3A_86 = tpu.memref_squeeze %dma_wait3A_85 : memref<1x125x128xf32, #tpu.memory_space<vmem>> -> memref<125x128xf32, #tpu.memory_space<vmem>>
        %dma_wait3A_87 = arith.constant 0 : i32
        %dma_wait3A_88 = tpu.memref_slice %arg9[%select_n3A_51, %mul3A_69, %dma_wait3A_87] : memref<2x10x125xi32, #tpu.memory_space<vmem>> -> memref<1x1x125xi32, #tpu.memory_space<vmem>>
        %dma_wait3A_89 = tpu.memref_squeeze %dma_wait3A_88 : memref<1x1x125xi32, #tpu.memory_space<vmem>> -> memref<125xi32, #tpu.memory_space<vmem>>
        %dma_wait3A_90 = arith.constant 0 : i32
        %dma_wait3A_91 = arith.constant 0 : i32
        %dma_wait3A_92 = tpu.memref_slice %arg2[%dma_wait3A_90, %dma_wait3A_91] : memref<10000x128xf32, #tpu.memory_space<hbm>> -> memref<10000x128xf32, #tpu.memory_space<hbm>>
        tpu.wait_indirect_dma semaphore(%arg13 : memref<!tpu.dma_semaphore, #tpu.memory_space<semaphore_mem>>) src(%dma_wait3A_92 : memref<10000x128xf32, #tpu.memory_space<hbm>>) dst(%dma_wait3A_86 : memref<125x128xf32, #tpu.memory_space<vmem>>)
        %run_scoped3A_93 = arith.constant 0 : i32
        "tpu.region"() ({
          %run_scoped3A_136 = tpu.sem_alloc : memref<!tpu.dma_semaphore, #tpu.memory_space<semaphore_mem>>
          %dma_start3A_137 = arith.constant 0 : i32
          %dma_start3A_138 = arith.constant 0 : i32
          %dma_start3A_139 = tpu.memref_slice %arg11[%run_scoped3A_93, %dma_start3A_137, %dma_start3A_138] : memref<2x125x128xf32, #tpu.memory_space<vmem>> -> memref<1x125x128xf32, #tpu.memory_space<vmem>>
          %dma_start3A_140 = tpu.memref_squeeze %dma_start3A_139 : memref<1x125x128xf32, #tpu.memory_space<vmem>> -> memref<125x128xf32, #tpu.memory_space<vmem>>
          %dma_start3A_141 = arith.constant 0 : i32
          %dma_start3A_142 = tpu.memref_slice %arg10[%select_n3A_51, %mul3A_69, %dma_start3A_141] : memref<2x10x125xi32, #tpu.memory_space<vmem>> -> memref<1x1x125xi32, #tpu.memory_space<vmem>>
          %dma_start3A_143 = tpu.memref_squeeze %dma_start3A_142 : memref<1x1x125xi32, #tpu.memory_space<vmem>> -> memref<125xi32, #tpu.memory_space<vmem>>
          %dma_start3A_144 = arith.constant 0 : i32
          %dma_start3A_145 = arith.constant 0 : i32
          %dma_start3A_146 = tpu.memref_slice %arg12[%dma_start3A_144, %dma_start3A_145] : memref<10112x128xf32, #tpu.memory_space<vmem_shared>> -> memref<10112x128xf32, #tpu.memory_space<vmem_shared>>
          tpu.enqueue_indirect_dma source(%dma_start3A_140 : memref<125x128xf32, #tpu.memory_space<vmem>>) target(%dma_start3A_146 : memref<10112x128xf32, #tpu.memory_space<vmem_shared>>) offsets(%dma_start3A_143 : memref<125xi32, #tpu.memory_space<vmem>>) semaphore(%run_scoped3A_136 : memref<!tpu.dma_semaphore, #tpu.memory_space<semaphore_mem>>) {add = true}
          %dma_wait3A_147 = arith.constant 0 : i32
          %dma_wait3A_148 = arith.constant 0 : i32
          %dma_wait3A_149 = tpu.memref_slice %arg11[%run_scoped3A_93, %dma_wait3A_147, %dma_wait3A_148] : memref<2x125x128xf32, #tpu.memory_space<vmem>> -> memref<1x125x128xf32, #tpu.memory_space<vmem>>
          %dma_wait3A_150 = tpu.memref_squeeze %dma_wait3A_149 : memref<1x125x128xf32, #tpu.memory_space<vmem>> -> memref<125x128xf32, #tpu.memory_space<vmem>>
          %dma_wait3A_151 = arith.constant 0 : i32
          %dma_wait3A_152 = tpu.memref_slice %arg10[%select_n3A_51, %mul3A_69, %dma_wait3A_151] : memref<2x10x125xi32, #tpu.memory_space<vmem>> -> memref<1x1x125xi32, #tpu.memory_space<vmem>>
          %dma_wait3A_153 = tpu.memref_squeeze %dma_wait3A_152 : memref<1x1x125xi32, #tpu.memory_space<vmem>> -> memref<125xi32, #tpu.memory_space<vmem>>
          %dma_wait3A_154 = arith.constant 0 : i32
          %dma_wait3A_155 = arith.constant 0 : i32
          %dma_wait3A_156 = tpu.memref_slice %arg12[%dma_wait3A_154, %dma_wait3A_155] : memref<10112x128xf32, #tpu.memory_space<vmem_shared>> -> memref<10112x128xf32, #tpu.memory_space<vmem_shared>>
          tpu.wait_indirect_dma semaphore(%run_scoped3A_136 : memref<!tpu.dma_semaphore, #tpu.memory_space<semaphore_mem>>) src(%dma_wait3A_150 : memref<125x128xf32, #tpu.memory_space<vmem>>) dst(%dma_wait3A_156 : memref<10112x128xf32, #tpu.memory_space<vmem_shared>>)
          tpu.yield
        }) : () -> ()
        %dma_start3A_94 = arith.constant 0 : i32
        %dma_start3A_95 = tpu.memref_slice %arg10[%select_n3A_51, %mul3A_69, %dma_start3A_94] : memref<2x10x125xi32, #tpu.memory_space<vmem>> -> memref<1x1x125xi32, #tpu.memory_space<vmem>>
        %dma_start3A_96 = tpu.memref_squeeze %dma_start3A_95 : memref<1x1x125xi32, #tpu.memory_space<vmem>> -> memref<125xi32, #tpu.memory_space<vmem>>
        %dma_start3A_97 = arith.constant 0 : i32
        %dma_start3A_98 = arith.constant 0 : i32
        %dma_start3A_99 = tpu.memref_slice %arg17[%dma_start3A_97, %dma_start3A_98] : memref<10112x16xf32, #tpu.memory_space<vmem_shared>> -> memref<10112x16xf32, #tpu.memory_space<vmem_shared>>
        tpu.enqueue_indirect_dma source(%arg16 : memref<125x16xf32, #tpu.memory_space<vmem>>) target(%dma_start3A_99 : memref<10112x16xf32, #tpu.memory_space<vmem_shared>>) offsets(%dma_start3A_96 : memref<125xi32, #tpu.memory_space<vmem>>) semaphore(%arg18 : memref<!tpu.dma_semaphore, #tpu.memory_space<semaphore_mem>>) {add = true}
        %add3A_100 = arith.constant 1 : i32
        %add3A_101 = arith.addi %add3A_71, %add3A_100 : i32
        %lt3A_102 = arith.constant 10 : i32
        %lt3A_103 = arith.cmpi slt, %add3A_101, %lt3A_102 : i32
        %convert_element_type3A_104 = arith.extui %lt3A_103 : i1 to i32
        %cond3A_105 = arith.constant 0 : i32
        %cond3A_106 = arith.cmpi ne, %convert_element_type3A_104, %cond3A_105 : i32
        scf.if %cond3A_106 {
          %add3A_136 = arith.constant 2 : i32
          %add3A_137 = arith.addi %mul3A_69, %add3A_136 : i32
          %dma_start3A_138 = arith.constant 0 : i32
          %dma_start3A_139 = arith.constant 0 : i32
          %dma_start3A_140 = arith.constant 0 : i32
          %dma_start3A_141 = tpu.memref_slice %arg11[%dma_start3A_138, %dma_start3A_139, %dma_start3A_140] : memref<2x125x128xf32, #tpu.memory_space<vmem>> -> memref<1x125x128xf32, #tpu.memory_space<vmem>>
          %dma_start3A_142 = tpu.memref_squeeze %dma_start3A_141 : memref<1x125x128xf32, #tpu.memory_space<vmem>> -> memref<125x128xf32, #tpu.memory_space<vmem>>
          %dma_start3A_143 = arith.constant 0 : i32
          %dma_start3A_144 = tpu.memref_slice %arg9[%select_n3A_51, %add3A_137, %dma_start3A_143] : memref<2x10x125xi32, #tpu.memory_space<vmem>> -> memref<1x1x125xi32, #tpu.memory_space<vmem>>
          %dma_start3A_145 = tpu.memref_squeeze %dma_start3A_144 : memref<1x1x125xi32, #tpu.memory_space<vmem>> -> memref<125xi32, #tpu.memory_space<vmem>>
          %dma_start3A_146 = arith.constant 0 : i32
          %dma_start3A_147 = arith.constant 0 : i32
          %dma_start3A_148 = tpu.memref_slice %arg2[%dma_start3A_146, %dma_start3A_147] : memref<10000x128xf32, #tpu.memory_space<hbm>> -> memref<10000x128xf32, #tpu.memory_space<hbm>>
          tpu.enqueue_indirect_dma source(%dma_start3A_148 : memref<10000x128xf32, #tpu.memory_space<hbm>>) target(%dma_start3A_142 : memref<125x128xf32, #tpu.memory_space<vmem>>) offsets(%dma_start3A_145 : memref<125xi32, #tpu.memory_space<vmem>>) semaphore(%arg13 : memref<!tpu.dma_semaphore, #tpu.memory_space<semaphore_mem>>)
        } else {
        }
        %add3A_107 = arith.constant 1 : i32
        %add3A_108 = arith.addi %add3A_71, %add3A_107 : i32
        %ge3A = arith.constant 10 : i32
        %ge3A_109 = arith.cmpi sge, %add3A_108, %ge3A : i32
        %add3A_110 = arith.constant 1 : i32
        %add3A_111 = arith.addi %scan3A_42, %add3A_110 : i32
        %lt3A_112 = arith.constant 8 : i32
        %lt3A_113 = arith.cmpi slt, %add3A_111, %lt3A_112 : i32
        %and3A_114 = arith.andi %ge3A_109, %lt3A_113 : i1
        %convert_element_type3A_115 = arith.extui %and3A_114 : i1 to i32
        %cond3A_116 = arith.constant 0 : i32
        %cond3A_117 = arith.cmpi ne, %convert_element_type3A_115, %cond3A_116 : i32
        scf.if %cond3A_117 {
          %add3A_136 = arith.constant 1 : i32
          %add3A_137 = arith.addi %scan3A_42, %add3A_136 : i32
          %sub3A = arith.constant 1 : i32
          %sub3A_138 = arith.subi %sub3A, %select_n3A_51 : i32
          %dma_wait3A_139 = arith.constant 0 : i32
          %dma_wait3A_140 = arith.constant 0 : i32
          %dma_wait3A_141 = arith.constant 0 : i32
          %dma_wait3A_142 = tpu.memref_slice %arg9[%sub3A_138, %dma_wait3A_140, %dma_wait3A_141] : memref<2x10x125xi32, #tpu.memory_space<vmem>> -> memref<1x10x125xi32, #tpu.memory_space<vmem>>
          %dma_wait3A_143 = tpu.memref_squeeze %dma_wait3A_142 : memref<1x10x125xi32, #tpu.memory_space<vmem>> -> memref<10x125xi32, #tpu.memory_space<vmem>>
          %dma_wait3A_144 = arith.constant 0 : i32
          %dma_wait3A_145 = arith.constant 0 : i32
          %dma_wait3A_146 = tpu.memref_slice %arg3[%dma_wait3A_139, %add3A, %add3A_137, %dma_wait3A_144, %dma_wait3A_145] : memref<2x32x8x10x125xi32, #tpu.memory_space<hbm>> -> memref<1x1x1x10x125xi32, #tpu.memory_space<hbm>>
          %dma_wait3A_147 = tpu.memref_squeeze %dma_wait3A_146 : memref<1x1x1x10x125xi32, #tpu.memory_space<hbm>> -> memref<10x125xi32, #tpu.memory_space<hbm>>
          %dma_wait3A_148 = arith.constant 0 : i32
          %dma_wait3A_149 = arith.constant 0 : i32
          %dma_wait3A_150 = tpu.memref_slice %arg9[%sub3A_138, %dma_wait3A_148, %dma_wait3A_149] : memref<2x10x125xi32, #tpu.memory_space<vmem>> -> memref<1x10x125xi32, #tpu.memory_space<vmem>>
          %dma_wait3A_151 = tpu.memref_squeeze %dma_wait3A_150 : memref<1x10x125xi32, #tpu.memory_space<vmem>> -> memref<10x125xi32, #tpu.memory_space<vmem>>
          %dma_wait3A_152 = arith.constant 0 : i32
          %dma_wait3A_153 = arith.constant 0 : i32
          %dma_wait3A_154 = tpu.memref_slice %arg3[%dma_wait3A_139, %add3A, %add3A_137, %dma_wait3A_152, %dma_wait3A_153] : memref<2x32x8x10x125xi32, #tpu.memory_space<hbm>> -> memref<1x1x1x10x125xi32, #tpu.memory_space<hbm>>
          %dma_wait3A_155 = tpu.memref_squeeze %dma_wait3A_154 : memref<1x1x1x10x125xi32, #tpu.memory_space<hbm>> -> memref<10x125xi32, #tpu.memory_space<hbm>>
          tpu.wait_dma2 semaphore(%arg15 : memref<!tpu.dma_semaphore, #tpu.memory_space<semaphore_mem>>) src(%dma_wait3A_155 : memref<10x125xi32, #tpu.memory_space<hbm>>) dst(%dma_wait3A_151 : memref<10x125xi32, #tpu.memory_space<vmem>>)
          %add3A_156 = arith.constant 1 : i32
          %add3A_157 = arith.addi %scan3A_42, %add3A_156 : i32
          %sub3A_158 = arith.constant 1 : i32
          %sub3A_159 = arith.subi %sub3A_158, %select_n3A_51 : i32
          %dma_wait3A_160 = arith.constant 1 : i32
          %dma_wait3A_161 = arith.constant 0 : i32
          %dma_wait3A_162 = arith.constant 0 : i32
          %dma_wait3A_163 = tpu.memref_slice %arg10[%sub3A_159, %dma_wait3A_161, %dma_wait3A_162] : memref<2x10x125xi32, #tpu.memory_space<vmem>> -> memref<1x10x125xi32, #tpu.memory_space<vmem>>
          %dma_wait3A_164 = tpu.memref_squeeze %dma_wait3A_163 : memref<1x10x125xi32, #tpu.memory_space<vmem>> -> memref<10x125xi32, #tpu.memory_space<vmem>>
          %dma_wait3A_165 = arith.constant 0 : i32
          %dma_wait3A_166 = arith.constant 0 : i32
          %dma_wait3A_167 = tpu.memref_slice %arg3[%dma_wait3A_160, %add3A, %add3A_157, %dma_wait3A_165, %dma_wait3A_166] : memref<2x32x8x10x125xi32, #tpu.memory_space<hbm>> -> memref<1x1x1x10x125xi32, #tpu.memory_space<hbm>>
          %dma_wait3A_168 = tpu.memref_squeeze %dma_wait3A_167 : memref<1x1x1x10x125xi32, #tpu.memory_space<hbm>> -> memref<10x125xi32, #tpu.memory_space<hbm>>
          %dma_wait3A_169 = arith.constant 0 : i32
          %dma_wait3A_170 = arith.constant 0 : i32
          %dma_wait3A_171 = tpu.memref_slice %arg10[%sub3A_159, %dma_wait3A_169, %dma_wait3A_170] : memref<2x10x125xi32, #tpu.memory_space<vmem>> -> memref<1x10x125xi32, #tpu.memory_space<vmem>>
          %dma_wait3A_172 = tpu.memref_squeeze %dma_wait3A_171 : memref<1x10x125xi32, #tpu.memory_space<vmem>> -> memref<10x125xi32, #tpu.memory_space<vmem>>
          %dma_wait3A_173 = arith.constant 0 : i32
          %dma_wait3A_174 = arith.constant 0 : i32
          %dma_wait3A_175 = tpu.memref_slice %arg3[%dma_wait3A_160, %add3A, %add3A_157, %dma_wait3A_173, %dma_wait3A_174] : memref<2x32x8x10x125xi32, #tpu.memory_space<hbm>> -> memref<1x1x1x10x125xi32, #tpu.memory_space<hbm>>
          %dma_wait3A_176 = tpu.memref_squeeze %dma_wait3A_175 : memref<1x1x1x10x125xi32, #tpu.memory_space<hbm>> -> memref<10x125xi32, #tpu.memory_space<hbm>>
          tpu.wait_dma2 semaphore(%arg15 : memref<!tpu.dma_semaphore, #tpu.memory_space<semaphore_mem>>) src(%dma_wait3A_176 : memref<10x125xi32, #tpu.memory_space<hbm>>) dst(%dma_wait3A_172 : memref<10x125xi32, #tpu.memory_space<vmem>>)
          %sub3A_177 = arith.constant 1 : i32
          %sub3A_178 = arith.subi %sub3A_177, %select_n3A_51 : i32
          %dma_start3A_179 = arith.constant 0 : i32
          %dma_start3A_180 = arith.constant 0 : i32
          %dma_start3A_181 = arith.constant 0 : i32
          %dma_start3A_182 = arith.constant 0 : i32
          %dma_start3A_183 = tpu.memref_slice %arg11[%dma_start3A_180, %dma_start3A_181, %dma_start3A_182] : memref<2x125x128xf32, #tpu.memory_space<vmem>> -> memref<1x125x128xf32, #tpu.memory_space<vmem>>
          %dma_start3A_184 = tpu.memref_squeeze %dma_start3A_183 : memref<1x125x128xf32, #tpu.memory_space<vmem>> -> memref<125x128xf32, #tpu.memory_space<vmem>>
          %dma_start3A_185 = arith.constant 0 : i32
          %dma_start3A_186 = tpu.memref_slice %arg9[%sub3A_178, %dma_start3A_179, %dma_start3A_185] : memref<2x10x125xi32, #tpu.memory_space<vmem>> -> memref<1x1x125xi32, #tpu.memory_space<vmem>>
          %dma_start3A_187 = tpu.memref_squeeze %dma_start3A_186 : memref<1x1x125xi32, #tpu.memory_space<vmem>> -> memref<125xi32, #tpu.memory_space<vmem>>
          %dma_start3A_188 = arith.constant 0 : i32
          %dma_start3A_189 = arith.constant 0 : i32
          %dma_start3A_190 = tpu.memref_slice %arg2[%dma_start3A_188, %dma_start3A_189] : memref<10000x128xf32, #tpu.memory_space<hbm>> -> memref<10000x128xf32, #tpu.memory_space<hbm>>
          tpu.enqueue_indirect_dma source(%dma_start3A_190 : memref<10000x128xf32, #tpu.memory_space<hbm>>) target(%dma_start3A_184 : memref<125x128xf32, #tpu.memory_space<vmem>>) offsets(%dma_start3A_187 : memref<125xi32, #tpu.memory_space<vmem>>) semaphore(%arg13 : memref<!tpu.dma_semaphore, #tpu.memory_space<semaphore_mem>>)
        } else {
        }
        %dma_wait3A_118 = arith.constant 1 : i32
        %dma_wait3A_119 = arith.constant 0 : i32
        %dma_wait3A_120 = arith.constant 0 : i32
        %dma_wait3A_121 = tpu.memref_slice %arg11[%dma_wait3A_118, %dma_wait3A_119, %dma_wait3A_120] : memref<2x125x128xf32, #tpu.memory_space<vmem>> -> memref<1x125x128xf32, #tpu.memory_space<vmem>>
        %dma_wait3A_122 = tpu.memref_squeeze %dma_wait3A_121 : memref<1x125x128xf32, #tpu.memory_space<vmem>> -> memref<125x128xf32, #tpu.memory_space<vmem>>
        %dma_wait3A_123 = arith.constant 0 : i32
        %dma_wait3A_124 = tpu.memref_slice %arg9[%select_n3A_51, %add3A_71, %dma_wait3A_123] : memref<2x10x125xi32, #tpu.memory_space<vmem>> -> memref<1x1x125xi32, #tpu.memory_space<vmem>>
        %dma_wait3A_125 = tpu.memref_squeeze %dma_wait3A_124 : memref<1x1x125xi32, #tpu.memory_space<vmem>> -> memref<125xi32, #tpu.memory_space<vmem>>
        %dma_wait3A_126 = arith.constant 0 : i32
        %dma_wait3A_127 = arith.constant 0 : i32
        %dma_wait3A_128 = tpu.memref_slice %arg2[%dma_wait3A_126, %dma_wait3A_127] : memref<10000x128xf32, #tpu.memory_space<hbm>> -> memref<10000x128xf32, #tpu.memory_space<hbm>>
        tpu.wait_indirect_dma semaphore(%arg14 : memref<!tpu.dma_semaphore, #tpu.memory_space<semaphore_mem>>) src(%dma_wait3A_128 : memref<10000x128xf32, #tpu.memory_space<hbm>>) dst(%dma_wait3A_122 : memref<125x128xf32, #tpu.memory_space<vmem>>)
        %run_scoped3A_129 = arith.constant 1 : i32
        "tpu.region"() ({
          %run_scoped3A_136 = tpu.sem_alloc : memref<!tpu.dma_semaphore, #tpu.memory_space<semaphore_mem>>
          %dma_start3A_137 = arith.constant 0 : i32
          %dma_start3A_138 = arith.constant 0 : i32
          %dma_start3A_139 = tpu.memref_slice %arg11[%run_scoped3A_129, %dma_start3A_137, %dma_start3A_138] : memref<2x125x128xf32, #tpu.memory_space<vmem>> -> memref<1x125x128xf32, #tpu.memory_space<vmem>>
          %dma_start3A_140 = tpu.memref_squeeze %dma_start3A_139 : memref<1x125x128xf32, #tpu.memory_space<vmem>> -> memref<125x128xf32, #tpu.memory_space<vmem>>
          %dma_start3A_141 = arith.constant 0 : i32
          %dma_start3A_142 = tpu.memref_slice %arg10[%select_n3A_51, %add3A_71, %dma_start3A_141] : memref<2x10x125xi32, #tpu.memory_space<vmem>> -> memref<1x1x125xi32, #tpu.memory_space<vmem>>
          %dma_start3A_143 = tpu.memref_squeeze %dma_start3A_142 : memref<1x1x125xi32, #tpu.memory_space<vmem>> -> memref<125xi32, #tpu.memory_space<vmem>>
          %dma_start3A_144 = arith.constant 0 : i32
          %dma_start3A_145 = arith.constant 0 : i32
          %dma_start3A_146 = tpu.memref_slice %arg12[%dma_start3A_144, %dma_start3A_145] : memref<10112x128xf32, #tpu.memory_space<vmem_shared>> -> memref<10112x128xf32, #tpu.memory_space<vmem_shared>>
          tpu.enqueue_indirect_dma source(%dma_start3A_140 : memref<125x128xf32, #tpu.memory_space<vmem>>) target(%dma_start3A_146 : memref<10112x128xf32, #tpu.memory_space<vmem_shared>>) offsets(%dma_start3A_143 : memref<125xi32, #tpu.memory_space<vmem>>) semaphore(%run_scoped3A_136 : memref<!tpu.dma_semaphore, #tpu.memory_space<semaphore_mem>>) {add = true}
          %dma_wait3A_147 = arith.constant 0 : i32
          %dma_wait3A_148 = arith.constant 0 : i32
          %dma_wait3A_149 = tpu.memref_slice %arg11[%run_scoped3A_129, %dma_wait3A_147, %dma_wait3A_148] : memref<2x125x128xf32, #tpu.memory_space<vmem>> -> memref<1x125x128xf32, #tpu.memory_space<vmem>>
          %dma_wait3A_150 = tpu.memref_squeeze %dma_wait3A_149 : memref<1x125x128xf32, #tpu.memory_space<vmem>> -> memref<125x128xf32, #tpu.memory_space<vmem>>
          %dma_wait3A_151 = arith.constant 0 : i32
          %dma_wait3A_152 = tpu.memref_slice %arg10[%select_n3A_51, %add3A_71, %dma_wait3A_151] : memref<2x10x125xi32, #tpu.memory_space<vmem>> -> memref<1x1x125xi32, #tpu.memory_space<vmem>>
          %dma_wait3A_153 = tpu.memref_squeeze %dma_wait3A_152 : memref<1x1x125xi32, #tpu.memory_space<vmem>> -> memref<125xi32, #tpu.memory_space<vmem>>
          %dma_wait3A_154 = arith.constant 0 : i32
          %dma_wait3A_155 = arith.constant 0 : i32
          %dma_wait3A_156 = tpu.memref_slice %arg12[%dma_wait3A_154, %dma_wait3A_155] : memref<10112x128xf32, #tpu.memory_space<vmem_shared>> -> memref<10112x128xf32, #tpu.memory_space<vmem_shared>>
          tpu.wait_indirect_dma semaphore(%run_scoped3A_136 : memref<!tpu.dma_semaphore, #tpu.memory_space<semaphore_mem>>) src(%dma_wait3A_150 : memref<125x128xf32, #tpu.memory_space<vmem>>) dst(%dma_wait3A_156 : memref<10112x128xf32, #tpu.memory_space<vmem_shared>>)
          tpu.yield
        }) : () -> ()
        %dma_start3A_130 = arith.constant 0 : i32
        %dma_start3A_131 = tpu.memref_slice %arg10[%select_n3A_51, %add3A_71, %dma_start3A_130] : memref<2x10x125xi32, #tpu.memory_space<vmem>> -> memref<1x1x125xi32, #tpu.memory_space<vmem>>
        %dma_start3A_132 = tpu.memref_squeeze %dma_start3A_131 : memref<1x1x125xi32, #tpu.memory_space<vmem>> -> memref<125xi32, #tpu.memory_space<vmem>>
        %dma_start3A_133 = arith.constant 0 : i32
        %dma_start3A_134 = arith.constant 0 : i32
        %dma_start3A_135 = tpu.memref_slice %arg17[%dma_start3A_133, %dma_start3A_134] : memref<10112x16xf32, #tpu.memory_space<vmem_shared>> -> memref<10112x16xf32, #tpu.memory_space<vmem_shared>>
        tpu.enqueue_indirect_dma source(%arg16 : memref<125x16xf32, #tpu.memory_space<vmem>>) target(%dma_start3A_135 : memref<10112x16xf32, #tpu.memory_space<vmem_shared>>) offsets(%dma_start3A_132 : memref<125xi32, #tpu.memory_space<vmem>>) semaphore(%arg18 : memref<!tpu.dma_semaphore, #tpu.memory_space<semaphore_mem>>) {add = true}
      }
      %scan3A_66 = arith.constant 5 : i32
    }
    %scan3A_26 = arith.constant 8 : i32
    %scan3A_27 = arith.constant 0 : i32
    %scan3A_28 = arith.constant 0 : i32
    %scan3A_29 = arith.constant 10 : i32
    %scan3A_30 = arith.addi %scan3A_28, %scan3A_29 : i32
    %scan3A_31 = arith.constant 1 : i32
    scf.for %scan3A_42 = %scan3A_28 to %scan3A_30 step %scan3A_31  : i32 {
      %dma_wait3A = arith.constant 0 : i32
      %dma_wait3A_43 = arith.constant 0 : i32
      %dma_wait3A_44 = arith.constant 0 : i32
      %dma_wait3A_45 = tpu.memref_slice %arg10[%dma_wait3A, %dma_wait3A_43, %dma_wait3A_44] : memref<2x10x125xi32, #tpu.memory_space<vmem>> -> memref<1x1x125xi32, #tpu.memory_space<vmem>>
      %dma_wait3A_46 = tpu.memref_squeeze %dma_wait3A_45 : memref<1x1x125xi32, #tpu.memory_space<vmem>> -> memref<125xi32, #tpu.memory_space<vmem>>
      %dma_wait3A_47 = arith.constant 0 : i32
      %dma_wait3A_48 = arith.constant 0 : i32
      %dma_wait3A_49 = tpu.memref_slice %arg17[%dma_wait3A_47, %dma_wait3A_48] : memref<10112x16xf32, #tpu.memory_space<vmem_shared>> -> memref<10112x16xf32, #tpu.memory_space<vmem_shared>>
      tpu.wait_indirect_dma semaphore(%arg18 : memref<!tpu.dma_semaphore, #tpu.memory_space<semaphore_mem>>) src(%arg16 : memref<125x16xf32, #tpu.memory_space<vmem>>) dst(%dma_wait3A_49 : memref<10112x16xf32, #tpu.memory_space<vmem_shared>>)
    }
    %scan3A_32 = arith.constant 10 : i32
    %barrier3A_33 = arith.constant 0 : index
    tpu.barrier barrier_id(%barrier3A_33)
    %mul3A_34 = arith.constant 632 : i32
    %mul3A_35 = arith.muli %arg1, %mul3A_34 : i32
    %mul3A_36 = arith.constant 632 : i32
    %mul3A_37 = arith.muli %arg1, %mul3A_36 : i32
    "tpu.region"() ({
      %run_scoped3A_42 = tpu.sem_alloc : memref<!tpu.dma_semaphore, #tpu.memory_space<semaphore_mem>>
      %dma_start3A_43 = arith.constant 0 : i32
      %dma_start3A_44 = tpu.memref_slice %arg7[%arg0, %mul3A_37, %dma_start3A_43] : memref<2x10112x128xf32, #tpu.memory_space<hbm>> -> memref<1x632x128xf32, #tpu.memory_space<hbm>>
      %dma_start3A_45 = tpu.memref_squeeze %dma_start3A_44 : memref<1x632x128xf32, #tpu.memory_space<hbm>> -> memref<632x128xf32, #tpu.memory_space<hbm>>
      %dma_start3A_46 = arith.constant 0 : i32
      %dma_start3A_47 = tpu.memref_slice %arg12[%mul3A_35, %dma_start3A_46] : memref<10112x128xf32, #tpu.memory_space<vmem_shared>> -> memref<632x128xf32, #tpu.memory_space<vmem_shared>>
      tpu.enqueue_dma source(%dma_start3A_47 : memref<632x128xf32, #tpu.memory_space<vmem_shared>>) target(%dma_start3A_45 : memref<632x128xf32, #tpu.memory_space<hbm>>) target_semaphore(%run_scoped3A_42 : memref<!tpu.dma_semaphore, #tpu.memory_space<semaphore_mem>>)
      %dma_wait3A = arith.constant 0 : i32
      %dma_wait3A_48 = tpu.memref_slice %arg7[%arg0, %mul3A_37, %dma_wait3A] : memref<2x10112x128xf32, #tpu.memory_space<hbm>> -> memref<1x632x128xf32, #tpu.memory_space<hbm>>
      %dma_wait3A_49 = tpu.memref_squeeze %dma_wait3A_48 : memref<1x632x128xf32, #tpu.memory_space<hbm>> -> memref<632x128xf32, #tpu.memory_space<hbm>>
      %dma_wait3A_50 = arith.constant 0 : i32
      %dma_wait3A_51 = tpu.memref_slice %arg12[%mul3A_35, %dma_wait3A_50] : memref<10112x128xf32, #tpu.memory_space<vmem_shared>> -> memref<632x128xf32, #tpu.memory_space<vmem_shared>>
      tpu.wait_dma2 semaphore(%run_scoped3A_42 : memref<!tpu.dma_semaphore, #tpu.memory_space<semaphore_mem>>) src(%dma_wait3A_51 : memref<632x128xf32, #tpu.memory_space<vmem_shared>>) dst(%dma_wait3A_49 : memref<632x128xf32, #tpu.memory_space<hbm>>)
      tpu.yield
    }) : () -> ()
    %mul3A_38 = arith.constant 632 : i32
    %mul3A_39 = arith.muli %arg1, %mul3A_38 : i32
    %mul3A_40 = arith.constant 632 : i32
    %mul3A_41 = arith.muli %arg1, %mul3A_40 : i32
    "tpu.region"() ({
      %run_scoped3A_42 = tpu.sem_alloc : memref<!tpu.dma_semaphore, #tpu.memory_space<semaphore_mem>>
      %dma_start3A_43 = arith.constant 0 : i32
      %dma_start3A_44 = tpu.memref_slice %arg8[%arg0, %mul3A_41, %dma_start3A_43] : memref<2x10112x16xf32, #tpu.memory_space<hbm>> -> memref<1x632x16xf32, #tpu.memory_space<hbm>>
      %dma_start3A_45 = tpu.memref_squeeze %dma_start3A_44 : memref<1x632x16xf32, #tpu.memory_space<hbm>> -> memref<632x16xf32, #tpu.memory_space<hbm>>
      %dma_start3A_46 = arith.constant 0 : i32
      %dma_start3A_47 = tpu.memref_slice %arg17[%mul3A_39, %dma_start3A_46] : memref<10112x16xf32, #tpu.memory_space<vmem_shared>> -> memref<632x16xf32, #tpu.memory_space<vmem_shared>>
      tpu.enqueue_dma source(%dma_start3A_47 : memref<632x16xf32, #tpu.memory_space<vmem_shared>>) target(%dma_start3A_45 : memref<632x16xf32, #tpu.memory_space<hbm>>) target_semaphore(%run_scoped3A_42 : memref<!tpu.dma_semaphore, #tpu.memory_space<semaphore_mem>>)
      %dma_wait3A = arith.constant 0 : i32
      %dma_wait3A_48 = tpu.memref_slice %arg8[%arg0, %mul3A_41, %dma_wait3A] : memref<2x10112x16xf32, #tpu.memory_space<hbm>> -> memref<1x632x16xf32, #tpu.memory_space<hbm>>
      %dma_wait3A_49 = tpu.memref_squeeze %dma_wait3A_48 : memref<1x632x16xf32, #tpu.memory_space<hbm>> -> memref<632x16xf32, #tpu.memory_space<hbm>>
      %dma_wait3A_50 = arith.constant 0 : i32
      %dma_wait3A_51 = tpu.memref_slice %arg17[%mul3A_39, %dma_wait3A_50] : memref<10112x16xf32, #tpu.memory_space<vmem_shared>> -> memref<632x16xf32, #tpu.memory_space<vmem_shared>>
      tpu.wait_dma2 semaphore(%run_scoped3A_42 : memref<!tpu.dma_semaphore, #tpu.memory_space<semaphore_mem>>) src(%dma_wait3A_51 : memref<632x16xf32, #tpu.memory_space<vmem_shared>>) dst(%dma_wait3A_49 : memref<632x16xf32, #tpu.memory_space<hbm>>)
      tpu.yield
    }) : () -> ()
    return
  }
}

module attributes {stable_mosaic.version = 14 : i64} {
  func.func @_dense1_body(%arg0: i32, %arg1: memref<2x4096x128xf32, #tpu.memory_space<vmem>>, %arg2: memref<2x512x128xf32, #tpu.memory_space<vmem>>, %arg3: memref<4096x128xf32, #tpu.memory_space<vmem>>, %arg4: memref<128x128xf32, #tpu.memory_space<vmem>>, %arg5: memref<128x128xf32, #tpu.memory_space<vmem>>, %arg6: memref<1x128xf32, #tpu.memory_space<vmem>>, %arg7: memref<4096x128xf32, #tpu.memory_space<vmem>>) attributes {dimension_semantics = [#tpu.dimension_semantics<arbitrary>], iteration_bounds = array<i64: 3>, scalar_prefetch = 0 : i64, scratch_operands = 0 : i64, tpu.core_type = #tpu.core_type<tc>, window_params = [{transform_indices = @transform_0, window_bounds = array<i64: 2, 4096, 128>}, {transform_indices = @transform_1, window_bounds = array<i64: 2, 512, 128>}, {transform_indices = @transform_2, window_bounds = array<i64: 4096, 128>}, {pipeline_mode = #tpu.pipeline_mode<synchronous>, transform_indices = @transform_3, window_bounds = array<i64: 128, 128>}, {pipeline_mode = #tpu.pipeline_mode<synchronous>, transform_indices = @transform_4, window_bounds = array<i64: 128, 128>}, {pipeline_mode = #tpu.pipeline_mode<synchronous>, transform_indices = @transform_5, window_bounds = array<i64: 1, 128>}, {transform_indices = @transform_6, window_bounds = array<i64: 4096, 128>}]} {
    %get3A = arith.constant 0 : index
    %get3A_0 = arith.constant 0 : index
    %get3A_1 = arith.constant 0 : index
    %get3A_2 = vector.load %arg1[%get3A, %get3A_0, %get3A_1] : memref<2x4096x128xf32, #tpu.memory_space<vmem>>, vector<1x4096x128xf32>
    %get3A_3 = vector.shape_cast %get3A_2 : vector<1x4096x128xf32> to vector<4096x128xf32>
    %get3A_4 = arith.constant 1 : index
    %get3A_5 = arith.constant 0 : index
    %get3A_6 = arith.constant 0 : index
    %get3A_7 = vector.load %arg1[%get3A_4, %get3A_5, %get3A_6] : memref<2x4096x128xf32, #tpu.memory_space<vmem>>, vector<1x4096x128xf32>
    %get3A_8 = vector.shape_cast %get3A_7 : vector<1x4096x128xf32> to vector<4096x128xf32>
    %add3A = arith.addf %get3A_3, %get3A_8 : vector<4096x128xf32>
    %get3A_9 = arith.constant 0 : index
    %get3A_10 = arith.constant 0 : index
    %get3A_11 = arith.constant 0 : index
    %get3A_12 = vector.load %arg2[%get3A_9, %get3A_10, %get3A_11] : memref<2x512x128xf32, #tpu.memory_space<vmem>>, vector<1x512x128xf32>
    %get3A_13 = vector.shape_cast %get3A_12 : vector<1x512x128xf32> to vector<512x128xf32>
    %get3A_14 = arith.constant 1 : index
    %get3A_15 = arith.constant 0 : index
    %get3A_16 = arith.constant 0 : index
    %get3A_17 = vector.load %arg2[%get3A_14, %get3A_15, %get3A_16] : memref<2x512x128xf32, #tpu.memory_space<vmem>>, vector<1x512x128xf32>
    %get3A_18 = vector.shape_cast %get3A_17 : vector<1x512x128xf32> to vector<512x128xf32>
    %add3A_19 = arith.addf %get3A_13, %get3A_18 : vector<512x128xf32>
    %broadcast_in_dim3A = vector.shape_cast %add3A_19 : vector<512x128xf32> to vector<512x1x128xf32>
    %broadcast_in_dim3A_20 = vector.shape_cast %broadcast_in_dim3A : vector<512x1x128xf32> to vector<512x1x128xf32>
    %broadcast_in_dim3A_21 = vector.broadcast %broadcast_in_dim3A_20 : vector<512x1x128xf32> to vector<512x8x128xf32>
    %reshape3A = vector.shape_cast %broadcast_in_dim3A_21 : vector<512x8x128xf32> to vector<4096x128xf32>
    %iota3A = tpu.iota {dimensions = array<i32: 0>} : vector<4096x128xi32>
    %iota3A_22 = tpu.iota {dimensions = array<i32: 1>} : vector<4096x128xi32>
    %jit3A = arith.constant 8 : i32
    %eq3A = arith.constant 0 : i32
    %eq3A_23 = arith.cmpi eq, %jit3A, %eq3A : i32
    %jit3A_24 = arith.constant 1 : i32
    %select_n3A = arith.select %eq3A_23, %jit3A_24, %jit3A : i32
    %rem3A = vector.broadcast %select_n3A : i32 to vector<4096x128xi32>
    %rem3A_25 = arith.remsi %iota3A, %rem3A : vector<4096x128xi32>
    %ne3A = arith.constant 0 : i32
    %ne3A_26 = vector.broadcast %ne3A : i32 to vector<4096x128xi32>
    %ne3A_27 = arith.cmpi ne, %rem3A_25, %ne3A_26 : vector<4096x128xi32>
    %lt3A = arith.constant 0 : i32
    %lt3A_28 = vector.broadcast %lt3A : i32 to vector<4096x128xi32>
    %lt3A_29 = arith.cmpi slt, %rem3A_25, %lt3A_28 : vector<4096x128xi32>
    %lt3A_30 = arith.constant 0 : i32
    %lt3A_31 = arith.cmpi slt, %select_n3A, %lt3A_30 : i32
    %ne3A_32 = vector.broadcast %lt3A_31 : i1 to vector<4096x128xi1>
    %ne3A_33 = vector.broadcast %ne3A_32 : vector<4096x128xi1> to vector<4096x128xi1>
    %ne3A_34 = arith.xori %lt3A_29, %ne3A_33 : vector<4096x128xi1>
    %and3A = arith.andi %ne3A_34, %ne3A_27 : vector<4096x128xi1>
    %add3A_35 = vector.broadcast %select_n3A : i32 to vector<4096x128xi32>
    %add3A_36 = arith.addi %rem3A_25, %add3A_35 : vector<4096x128xi32>
    %select_n3A_37 = arith.select %and3A, %add3A_36, %rem3A_25 : vector<4096x128xi1>, vector<4096x128xi32>
    %mul3A = arith.constant 16 : i32
    %mul3A_38 = vector.broadcast %mul3A : i32 to vector<4096x128xi32>
    %mul3A_39 = arith.muli %select_n3A_37, %mul3A_38 : vector<4096x128xi32>
    %eq3A_40 = arith.cmpi eq, %iota3A_22, %mul3A_39 : vector<4096x128xi32>
    %jit3A_41 = arith.constant 0.000000e+00 : f32
    %broadcast_in_dim3A_42 = vector.broadcast %jit3A_41 : f32 to vector<4096x128xf32>
    %select_n3A_43 = arith.select %eq3A_40, %reshape3A, %broadcast_in_dim3A_42 : vector<4096x128xi1>, vector<4096x128xf32>
    %reduce_sum3A = arith.constant dense<0.000000e+00> : vector<4096xf32>
    %reduce_sum3A_44 = vector.multi_reduction <add>, %select_n3A_43, %reduce_sum3A [1] : vector<4096x128xf32> to vector<4096xf32>
    %broadcast_in_dim3A_45 = vector.shape_cast %reduce_sum3A_44 : vector<4096xf32> to vector<4096x1xf32>
    %max3A = arith.constant 1.000000e+00 : f32
    %max3A_46 = vector.broadcast %max3A : f32 to vector<4096x1xf32>
    %max3A_47 = arith.maximumf %broadcast_in_dim3A_45, %max3A_46 : vector<4096x1xf32>
    %div3A = arith.constant 1.000000e+00 : f32
    %div3A_48 = vector.broadcast %div3A : f32 to vector<4096x1xf32>
    %div3A_49 = arith.divf %div3A_48, %max3A_47 : vector<4096x1xf32>
    %mul3A_50 = vector.broadcast %div3A_49 : vector<4096x1xf32> to vector<4096x128xf32>
    %mul3A_51 = arith.mulf %add3A, %mul3A_50 : vector<4096x128xf32>
    %get3A_52 = arith.constant 0 : index
    %get3A_53 = arith.constant 0 : index
    %get3A_54 = vector.load %arg4[%get3A_52, %get3A_53] : memref<128x128xf32, #tpu.memory_space<vmem>>, vector<128x128xf32>
    %dot_general3A = arith.constant dense<0.000000e+00> : vector<4096x128xf32>
    %dot_general3A_55 = tpu.matmul %mul3A_51, %get3A_54, %dot_general3A {dimension_numbers = #tpu.dot_dimension_numbers<[1], [1], [0], [0], [0, 0, 1, 0], [], []>, transpose_lhs_hint = false} : vector<4096x128xf32>, vector<128x128xf32>, vector<4096x128xf32> -> vector<4096x128xf32>
    %get3A_56 = arith.constant 0 : index
    %get3A_57 = arith.constant 0 : index
    %get3A_58 = vector.load %arg3[%get3A_56, %get3A_57] : memref<4096x128xf32, #tpu.memory_space<vmem>>, vector<4096x128xf32>
    %get3A_59 = arith.constant 0 : index
    %get3A_60 = arith.constant 0 : index
    %get3A_61 = vector.load %arg5[%get3A_59, %get3A_60] : memref<128x128xf32, #tpu.memory_space<vmem>>, vector<128x128xf32>
    %dot_general3A_62 = arith.constant dense<0.000000e+00> : vector<4096x128xf32>
    %dot_general3A_63 = tpu.matmul %get3A_58, %get3A_61, %dot_general3A_62 {dimension_numbers = #tpu.dot_dimension_numbers<[1], [1], [0], [0], [0, 0, 1, 0], [], []>, transpose_lhs_hint = false} : vector<4096x128xf32>, vector<128x128xf32>, vector<4096x128xf32> -> vector<4096x128xf32>
    %add3A_64 = arith.addf %dot_general3A_55, %dot_general3A_63 : vector<4096x128xf32>
    %get3A_65 = arith.constant 0 : index
    %get3A_66 = arith.constant 0 : index
    %get3A_67 = vector.load %arg6[%get3A_65, %get3A_66] : memref<1x128xf32, #tpu.memory_space<vmem>>, vector<1x128xf32>
    %add3A_68 = vector.broadcast %get3A_67 : vector<1x128xf32> to vector<4096x128xf32>
    %add3A_69 = arith.addf %add3A_64, %add3A_68 : vector<4096x128xf32>
    %max3A_70 = arith.constant 0.000000e+00 : f32
    %max3A_71 = vector.broadcast %max3A_70 : f32 to vector<4096x128xf32>
    %max3A_72 = arith.maximumf %add3A_69, %max3A_71 : vector<4096x128xf32>
    %swap3A = arith.constant 0 : index
    %swap3A_73 = arith.constant 0 : index
    %swap3A_74 = vector.load %arg7[%swap3A, %swap3A_73] : memref<4096x128xf32, #tpu.memory_space<vmem>>, vector<4096x128xf32>
    tpu.vector_store %arg7[%swap3A, %swap3A_73], %max3A_72 {strides = array<i32>} : memref<4096x128xf32, #tpu.memory_space<vmem>>, vector<4096x128xf32>,
    return
  }
  func.func @transform_0(%arg0: i32) -> (i32, i32, i32) {
    %c0_i32 = arith.constant 0 : i32
    %c0_i32_0 = arith.constant 0 : i32
    %c0_i32_1 = arith.constant 0 : i32
    return %c0_i32, %arg0, %c0_i32_0 : i32, i32, i32
  }
  func.func @transform_1(%arg0: i32) -> (i32, i32, i32) {
    %c0_i32 = arith.constant 0 : i32
    %c0_i32_0 = arith.constant 0 : i32
    %c0_i32_1 = arith.constant 0 : i32
    return %c0_i32, %arg0, %c0_i32_0 : i32, i32, i32
  }
  func.func @transform_2(%arg0: i32) -> (i32, i32) {
    %c0_i32 = arith.constant 0 : i32
    %c0_i32_0 = arith.constant 0 : i32
    return %arg0, %c0_i32 : i32, i32
  }
  func.func @transform_3(%arg0: i32) -> (i32, i32) {
    %c0_i32 = arith.constant 0 : i32
    %c0_i32_0 = arith.constant 0 : i32
    %c0_i32_1 = arith.constant 0 : i32
    return %c0_i32, %c0_i32_0 : i32, i32
  }
  func.func @transform_4(%arg0: i32) -> (i32, i32) {
    %c0_i32 = arith.constant 0 : i32
    %c0_i32_0 = arith.constant 0 : i32
    %c0_i32_1 = arith.constant 0 : i32
    return %c0_i32, %c0_i32_0 : i32, i32
  }
  func.func @transform_5(%arg0: i32) -> (i32, i32) {
    %c0_i32 = arith.constant 0 : i32
    %c0_i32_0 = arith.constant 0 : i32
    %c0_i32_1 = arith.constant 0 : i32
    return %c0_i32, %c0_i32_0 : i32, i32
  }
  func.func @transform_6(%arg0: i32) -> (i32, i32) {
    %c0_i32 = arith.constant 0 : i32
    %c0_i32_0 = arith.constant 0 : i32
    return %arg0, %c0_i32 : i32, i32
  }
}

module attributes {stable_mosaic.version = 14 : i64} {
  func.func @_dense2_body(%arg0: i32, %arg1: memref<2x4096x128xf32, #tpu.memory_space<vmem>>, %arg2: memref<2x512x128xf32, #tpu.memory_space<vmem>>, %arg3: memref<4096x128xf32, #tpu.memory_space<vmem>>, %arg4: memref<128x128xf32, #tpu.memory_space<vmem>>, %arg5: memref<128x128xf32, #tpu.memory_space<vmem>>, %arg6: memref<1x128xf32, #tpu.memory_space<vmem>>, %arg7: memref<4096x128xf32, #tpu.memory_space<vmem>>) attributes {dimension_semantics = [#tpu.dimension_semantics<arbitrary>], iteration_bounds = array<i64: 3>, scalar_prefetch = 0 : i64, scratch_operands = 0 : i64, tpu.core_type = #tpu.core_type<tc>, window_params = [{transform_indices = @transform_0, window_bounds = array<i64: 2, 4096, 128>}, {transform_indices = @transform_1, window_bounds = array<i64: 2, 512, 128>}, {transform_indices = @transform_2, window_bounds = array<i64: 4096, 128>}, {pipeline_mode = #tpu.pipeline_mode<synchronous>, transform_indices = @transform_3, window_bounds = array<i64: 128, 128>}, {pipeline_mode = #tpu.pipeline_mode<synchronous>, transform_indices = @transform_4, window_bounds = array<i64: 128, 128>}, {pipeline_mode = #tpu.pipeline_mode<synchronous>, transform_indices = @transform_5, window_bounds = array<i64: 1, 128>}, {transform_indices = @transform_6, window_bounds = array<i64: 4096, 128>}]} {
    %get3A = arith.constant 0 : index
    %get3A_0 = arith.constant 0 : index
    %get3A_1 = arith.constant 0 : index
    %get3A_2 = vector.load %arg2[%get3A, %get3A_0, %get3A_1] : memref<2x512x128xf32, #tpu.memory_space<vmem>>, vector<1x512x128xf32>
    %get3A_3 = vector.shape_cast %get3A_2 : vector<1x512x128xf32> to vector<512x128xf32>
    %get3A_4 = arith.constant 1 : index
    %get3A_5 = arith.constant 0 : index
    %get3A_6 = arith.constant 0 : index
    %get3A_7 = vector.load %arg2[%get3A_4, %get3A_5, %get3A_6] : memref<2x512x128xf32, #tpu.memory_space<vmem>>, vector<1x512x128xf32>
    %get3A_8 = vector.shape_cast %get3A_7 : vector<1x512x128xf32> to vector<512x128xf32>
    %add3A = arith.addf %get3A_3, %get3A_8 : vector<512x128xf32>
    %broadcast_in_dim3A = vector.shape_cast %add3A : vector<512x128xf32> to vector<512x1x128xf32>
    %broadcast_in_dim3A_9 = vector.shape_cast %broadcast_in_dim3A : vector<512x1x128xf32> to vector<512x1x128xf32>
    %broadcast_in_dim3A_10 = vector.broadcast %broadcast_in_dim3A_9 : vector<512x1x128xf32> to vector<512x8x128xf32>
    %reshape3A = vector.shape_cast %broadcast_in_dim3A_10 : vector<512x8x128xf32> to vector<4096x128xf32>
    %iota3A = tpu.iota {dimensions = array<i32: 0>} : vector<4096x128xi32>
    %iota3A_11 = tpu.iota {dimensions = array<i32: 1>} : vector<4096x128xi32>
    %jit3A = arith.constant 8 : i32
    %eq3A = arith.constant 0 : i32
    %eq3A_12 = arith.cmpi eq, %jit3A, %eq3A : i32
    %jit3A_13 = arith.constant 1 : i32
    %select_n3A = arith.select %eq3A_12, %jit3A_13, %jit3A : i32
    %rem3A = vector.broadcast %select_n3A : i32 to vector<4096x128xi32>
    %rem3A_14 = arith.remsi %iota3A, %rem3A : vector<4096x128xi32>
    %ne3A = arith.constant 0 : i32
    %ne3A_15 = vector.broadcast %ne3A : i32 to vector<4096x128xi32>
    %ne3A_16 = arith.cmpi ne, %rem3A_14, %ne3A_15 : vector<4096x128xi32>
    %lt3A = arith.constant 0 : i32
    %lt3A_17 = vector.broadcast %lt3A : i32 to vector<4096x128xi32>
    %lt3A_18 = arith.cmpi slt, %rem3A_14, %lt3A_17 : vector<4096x128xi32>
    %lt3A_19 = arith.constant 0 : i32
    %lt3A_20 = arith.cmpi slt, %select_n3A, %lt3A_19 : i32
    %ne3A_21 = vector.broadcast %lt3A_20 : i1 to vector<4096x128xi1>
    %ne3A_22 = vector.broadcast %ne3A_21 : vector<4096x128xi1> to vector<4096x128xi1>
    %ne3A_23 = arith.xori %lt3A_18, %ne3A_22 : vector<4096x128xi1>
    %and3A = arith.andi %ne3A_23, %ne3A_16 : vector<4096x128xi1>
    %add3A_24 = vector.broadcast %select_n3A : i32 to vector<4096x128xi32>
    %add3A_25 = arith.addi %rem3A_14, %add3A_24 : vector<4096x128xi32>
    %select_n3A_26 = arith.select %and3A, %add3A_25, %rem3A_14 : vector<4096x128xi1>, vector<4096x128xi32>
    %mul3A = arith.constant 16 : i32
    %mul3A_27 = vector.broadcast %mul3A : i32 to vector<4096x128xi32>
    %mul3A_28 = arith.muli %select_n3A_26, %mul3A_27 : vector<4096x128xi32>
    %eq3A_29 = arith.cmpi eq, %iota3A_11, %mul3A_28 : vector<4096x128xi32>
    %jit3A_30 = arith.constant 0.000000e+00 : f32
    %broadcast_in_dim3A_31 = vector.broadcast %jit3A_30 : f32 to vector<4096x128xf32>
    %select_n3A_32 = arith.select %eq3A_29, %reshape3A, %broadcast_in_dim3A_31 : vector<4096x128xi1>, vector<4096x128xf32>
    %reduce_sum3A = arith.constant dense<0.000000e+00> : vector<4096xf32>
    %reduce_sum3A_33 = vector.multi_reduction <add>, %select_n3A_32, %reduce_sum3A [1] : vector<4096x128xf32> to vector<4096xf32>
    %broadcast_in_dim3A_34 = vector.shape_cast %reduce_sum3A_33 : vector<4096xf32> to vector<4096x1xf32>
    %max3A = arith.constant 1.000000e+00 : f32
    %max3A_35 = vector.broadcast %max3A : f32 to vector<4096x1xf32>
    %max3A_36 = arith.maximumf %broadcast_in_dim3A_34, %max3A_35 : vector<4096x1xf32>
    %div3A = arith.constant 1.000000e+00 : f32
    %div3A_37 = vector.broadcast %div3A : f32 to vector<4096x1xf32>
    %div3A_38 = arith.divf %div3A_37, %max3A_36 : vector<4096x1xf32>
    %get3A_39 = arith.constant 0 : index
    %get3A_40 = arith.constant 0 : index
    %get3A_41 = arith.constant 0 : index
    %get3A_42 = vector.load %arg1[%get3A_39, %get3A_40, %get3A_41] : memref<2x4096x128xf32, #tpu.memory_space<vmem>>, vector<1x4096x128xf32>
    %get3A_43 = vector.shape_cast %get3A_42 : vector<1x4096x128xf32> to vector<4096x128xf32>
    %get3A_44 = arith.constant 1 : index
    %get3A_45 = arith.constant 0 : index
    %get3A_46 = arith.constant 0 : index
    %get3A_47 = vector.load %arg1[%get3A_44, %get3A_45, %get3A_46] : memref<2x4096x128xf32, #tpu.memory_space<vmem>>, vector<1x4096x128xf32>
    %get3A_48 = vector.shape_cast %get3A_47 : vector<1x4096x128xf32> to vector<4096x128xf32>
    %add3A_49 = arith.addf %get3A_43, %get3A_48 : vector<4096x128xf32>
    %mul3A_50 = vector.broadcast %div3A_38 : vector<4096x1xf32> to vector<4096x128xf32>
    %mul3A_51 = arith.mulf %add3A_49, %mul3A_50 : vector<4096x128xf32>
    %get3A_52 = arith.constant 0 : index
    %get3A_53 = arith.constant 0 : index
    %get3A_54 = vector.load %arg4[%get3A_52, %get3A_53] : memref<128x128xf32, #tpu.memory_space<vmem>>, vector<128x128xf32>
    %dot_general3A = arith.constant dense<0.000000e+00> : vector<4096x128xf32>
    %dot_general3A_55 = tpu.matmul %mul3A_51, %get3A_54, %dot_general3A {dimension_numbers = #tpu.dot_dimension_numbers<[1], [1], [0], [0], [0, 0, 1, 0], [], []>, transpose_lhs_hint = false} : vector<4096x128xf32>, vector<128x128xf32>, vector<4096x128xf32> -> vector<4096x128xf32>
    %get3A_56 = arith.constant 0 : index
    %get3A_57 = arith.constant 0 : index
    %get3A_58 = vector.load %arg3[%get3A_56, %get3A_57] : memref<4096x128xf32, #tpu.memory_space<vmem>>, vector<4096x128xf32>
    %get3A_59 = arith.constant 0 : index
    %get3A_60 = arith.constant 0 : index
    %get3A_61 = vector.load %arg5[%get3A_59, %get3A_60] : memref<128x128xf32, #tpu.memory_space<vmem>>, vector<128x128xf32>
    %dot_general3A_62 = arith.constant dense<0.000000e+00> : vector<4096x128xf32>
    %dot_general3A_63 = tpu.matmul %get3A_58, %get3A_61, %dot_general3A_62 {dimension_numbers = #tpu.dot_dimension_numbers<[1], [1], [0], [0], [0, 0, 1, 0], [], []>, transpose_lhs_hint = false} : vector<4096x128xf32>, vector<128x128xf32>, vector<4096x128xf32> -> vector<4096x128xf32>
    %add3A_64 = arith.addf %dot_general3A_55, %dot_general3A_63 : vector<4096x128xf32>
    %get3A_65 = arith.constant 0 : index
    %get3A_66 = arith.constant 0 : index
    %get3A_67 = vector.load %arg6[%get3A_65, %get3A_66] : memref<1x128xf32, #tpu.memory_space<vmem>>, vector<1x128xf32>
    %add3A_68 = vector.broadcast %get3A_67 : vector<1x128xf32> to vector<4096x128xf32>
    %add3A_69 = arith.addf %add3A_64, %add3A_68 : vector<4096x128xf32>
    %swap3A = arith.constant 0 : index
    %swap3A_70 = arith.constant 0 : index
    %swap3A_71 = vector.load %arg7[%swap3A, %swap3A_70] : memref<4096x128xf32, #tpu.memory_space<vmem>>, vector<4096x128xf32>
    tpu.vector_store %arg7[%swap3A, %swap3A_70], %add3A_69 {strides = array<i32>} : memref<4096x128xf32, #tpu.memory_space<vmem>>, vector<4096x128xf32>,
    return
  }
  func.func @transform_0(%arg0: i32) -> (i32, i32, i32) {
    %c0_i32 = arith.constant 0 : i32
    %c0_i32_0 = arith.constant 0 : i32
    %c0_i32_1 = arith.constant 0 : i32
    return %c0_i32, %arg0, %c0_i32_0 : i32, i32, i32
  }
  func.func @transform_1(%arg0: i32) -> (i32, i32, i32) {
    %c0_i32 = arith.constant 0 : i32
    %c0_i32_0 = arith.constant 0 : i32
    %c0_i32_1 = arith.constant 0 : i32
    return %c0_i32, %arg0, %c0_i32_0 : i32, i32, i32
  }
  func.func @transform_2(%arg0: i32) -> (i32, i32) {
    %c0_i32 = arith.constant 0 : i32
    %c0_i32_0 = arith.constant 0 : i32
    return %arg0, %c0_i32 : i32, i32
  }
  func.func @transform_3(%arg0: i32) -> (i32, i32) {
    %c0_i32 = arith.constant 0 : i32
    %c0_i32_0 = arith.constant 0 : i32
    %c0_i32_1 = arith.constant 0 : i32
    return %c0_i32, %c0_i32_0 : i32, i32
  }
  func.func @transform_4(%arg0: i32) -> (i32, i32) {
    %c0_i32 = arith.constant 0 : i32
    %c0_i32_0 = arith.constant 0 : i32
    %c0_i32_1 = arith.constant 0 : i32
    return %c0_i32, %c0_i32_0 : i32, i32
  }
  func.func @transform_5(%arg0: i32) -> (i32, i32) {
    %c0_i32 = arith.constant 0 : i32
    %c0_i32_0 = arith.constant 0 : i32
    %c0_i32_1 = arith.constant 0 : i32
    return %c0_i32, %c0_i32_0 : i32, i32
  }
  func.func @transform_6(%arg0: i32) -> (i32, i32) {
    %c0_i32 = arith.constant 0 : i32
    %c0_i32_0 = arith.constant 0 : i32
    return %arg0, %c0_i32 : i32, i32
  }
}

</mosaic_0001>

<sc_bundles>
// kernel: kernel.6.cloned.1.call-start
scs
__scs_entry_jumppad:
0x0: {  	(pc) =	sbr.rel $0x88, $3  }
0x1: {  	(tag) =	ssettag $0x0;
	lr =	simm.s32 $0x1  }
0x2: {  	[smem:$0x3F99] =	sst lr;
	_ =	strace $0xD0000000  }
0x3: {  	_ = 	snop  }
0x4: {  	_ = 	snop  }
0x5: {  	_ = 	snop  }
0x6: {  	_ = 	snop  }
0x7: {  	_ = 	snop  }
__scs_overlays_trampoline_lowered:
0x8: {  	[smem:$0x3FA8] =	sst s0  }
0x9: {  	[smem:$0x3FA9] =	sst s1  }
0xa: {  	[smem:$0x3FAA] =	sst s2  }
0xb: {  	[smem:$0x3FAB] =	sst s3  }
0xc: {  	[smem:$0x3FAC] =	sst s4  }
0xd: {  	[smem:$0x3FAD] =	sst s5  }
0xe: {  	[smem:$0x3FAE] =	sst s6  }
0xf: {  	[smem:$0x3FAF] =	sst s7  }
0x10: {  	[smem:$0x3FB0] =	sst s8  }
0x11: {  	[smem:$0x3FB1] =	sst s9;
	s0 =	simm.s32 @!p0 $0x0  }
0x12: {  	s1 =	sld [smem:$0x3F97];
	s0 =	simm.s32 @p0 $0x1  }
0x13: {  	[smem:$0x3FB2] =	sst s0;
	s0 =	simm.s32 @!p1 $0x0  }
0x14: {  	s2 =	sld [smem:$0x3F96];
	s0 =	simm.s32 @p1 $0x1  }
0x15: {  	[smem:$0x3FB3] =	sst s0;
	s0 =	simm.s32 @!p2 $0x0  }
0x16: {  	s3 =	sld [smem:$0x3FDB];
	s0 =	simm.s32 @p2 $0x1  }
0x17: {  	s4 =	simm.s32 $0x1BF5;
	[smem:$0x3FB5] =	sst s0  }
0x18: {  	s0 =	sld [smem:$0x3F98];
	_ =	swait.ge [sflag:s4], $0x0  }
0x19: {  	s7 =	sld [smem:$0x3F99]  }
0x1a: {  	s8 =	sadd.s32 $0xFFFFE003, lr  }
0x1b: {  	s9 =	sadd.s32 $0xFFFFFEF7, lr;
	s5 =	simm.s32 $0xFFFFFFFF;
	p2 =	slt.u32 s8, $0xFFFFF086  }
0x1c: {  	p1 =	slt.u32 s9, $0xF7A;
	s5 =	simm.s32 @!p2 $0x0  }
0x1d: {  	s5 =	simm.s32 @p1 $0x1;
	p0 =	seq.s32 s7, s2  }
0x1e: {  	s7 =	smul.u32 @!p0 $0xF7A, s2;
	p2 =	seq.s32 @!p0 s5, $0x0  }
0x1f: {  	s9 =	smul.u32 $0xF7A, s1;
	s8 =	simm.s32 @!p0 $0x1BF5;
	p2 =	por !p2, p0  }
0x20: {  	[sflag:s8] =	ssyncset.s32 @!p0 $0xFFFFF086;
	s6 =	sadd.s32 @!p0 s3, s7;
	s7 =	simm.s32 @!p0 $0x108  }
0x21: {  	s3 =	sadd.s32 s3, s9;
	s6 =	sadd.s32 @!p0 $0x88, s6;
	s7 =	simm.s32 @p2 $0x1082  }
0x22: {  	[simem:s7], [sflag:s8] =	dma.local @!p0 [hbm:s6], $0xF7A  }
0x23: {  	s9 =	sor.u32 $0xD0000000, s2;
	s6 =	simm.s32 $0x108;
	_ =	swait.ge @!p0 [sflag:s8], $0x0  }
0x24: {  	s3 =	sadd.s32 $0x88, s3;
	s6 =	simm.s32 @!p1 $0x1082;
	[sflag:s4] =	ssyncset.s32 $0xFFFFF086  }
0x25: {  	[simem:s6], [sflag:s4] =	dma.local [hbm:s3], $0xF7A  }
0x26: {  	[smem:$0x3F99] =	sst s1;
	(tag) =	ssettag s2;
	_ =	strace s9  }
0x27: {  	s1 =	sld [smem:$0x3FA9]  }
0x28: {  	s2 =	sld [smem:$0x3FAA]  }
0x29: {  	s4 =	sld [smem:$0x3FAC]  }
0x2a: {  	p0 =	seq.s32 s5, $0x0;
	s5 =	sld [smem:$0x3FAD]  }
0x2b: {  	s6 =	sld [smem:$0x3FAE]  }
0x2c: {  	s7 =	sld [smem:$0x3FAF]  }
0x2d: {  	s3 =	simm.s32 $0x108;
	s8 =	sld [smem:$0x3FB0]  }
0x2e: {  	s3 =	simm.s32 @!p0 $0x1082;
	s9 =	sld [smem:$0x3FB1]  }
0x2f: {  	lr =	sadd.s32 s0, s3;
	s0 =	sld [smem:$0x3FA8]  }
0x30: {  	s3 =	sld [smem:$0x3FAB]  }
0x31: {  	[smem:$0x3FB4] =	sst s10  }
0x32: {  	s10 =	sld [smem:$0x3FB2];
	_ =	sdelay $0x3  }
0x33: {  	p0 =	seq.s32 s10, $0x1;
	s10 =	sld [smem:$0x3FB4];
	_ =	sdelay $0x3  }
0x34: {  	[smem:$0x3FB4] =	sst s10  }
0x35: {  	s10 =	sld [smem:$0x3FB3];
	_ =	sdelay $0x3  }
0x36: {  	p1 =	seq.s32 s10, $0x1;
	s10 =	sld [smem:$0x3FB4];
	_ =	sdelay $0x3  }
0x37: {  	[smem:$0x3FB4] =	sst s10  }
0x38: {  	s10 =	sld [smem:$0x3FB5]  }
0x39: {  	_ = 	snop;
	(pc) =	sbr.ind lr, $3  }
0x3a: {  	_ = 	snop  }
0x3b: {  	_ = 	snop  }
0x3c: {  	p2 =	seq.s32 s10, $0x1;
	s10 =	sld [smem:$0x3FB4]  }
0x3d: {  	_ =	shalt  }
0x3e: {  	_ =	shalt  }
0x3f: {  	_ =	shalt  }
0x40: {  	_ =	shalt  }
0x41: {  	_ =	shalt  }
0x42: {  	_ =	shalt  }
0x43: {  	_ =	shalt  }
0x44: {  	_ =	shalt  }
0x45: {  	_ =	shalt  }
0x46: {  	_ =	shalt  }
0x47: {  	_ =	shalt  }
0x48: {  	_ =	shalt  }
0x49: {  	_ =	shalt  }
0x4a: {  	_ =	shalt  }
0x4b: {  	_ =	shalt  }
0x4c: {  	_ =	shalt  }
0x4d: {  	_ =	shalt  }
0x4e: {  	_ =	shalt  }
0x4f: {  	_ =	shalt  }
0x50: {  	_ =	shalt  }
0x51: {  	_ =	shalt  }
0x52: {  	_ =	shalt  }
0x53: {  	_ =	shalt  }
0x54: {  	_ =	shalt  }
0x55: {  	_ =	shalt  }
0x56: {  	_ =	shalt  }
0x57: {  	_ =	shalt  }
0x58: {  	_ =	shalt  }
0x59: {  	_ =	shalt  }
0x5a: {  	_ =	shalt  }
0x5b: {  	_ =	shalt  }
0x5c: {  	_ =	shalt  }
0x5d: {  	_ =	shalt  }
0x5e: {  	_ =	shalt  }
0x5f: {  	_ =	shalt  }
0x60: {  	_ =	shalt  }
0x61: {  	_ =	shalt  }
0x62: {  	_ =	shalt  }
0x63: {  	_ =	shalt  }
0x64: {  	_ =	shalt  }
0x65: {  	_ =	shalt  }
0x66: {  	_ =	shalt  }
0x67: {  	_ =	shalt  }
0x68: {  	_ =	shalt  }
0x69: {  	_ =	shalt  }
0x6a: {  	_ =	shalt  }
0x6b: {  	_ =	shalt  }
0x6c: {  	_ =	shalt  }
0x6d: {  	_ =	shalt  }
0x6e: {  	_ =	shalt  }
0x6f: {  	_ =	shalt  }
0x70: {  	_ =	shalt  }
0x71: {  	_ =	shalt  }
0x72: {  	_ =	shalt  }
0x73: {  	_ =	shalt  }
0x74: {  	_ =	shalt  }
0x75: {  	_ =	shalt  }
0x76: {  	_ =	shalt  }
0x77: {  	_ =	shalt  }
0x78: {  	_ =	shalt  }
0x79: {  	_ =	shalt  }
0x7a: {  	_ =	shalt  }
0x7b: {  	_ =	shalt  }
0x7c: {  	_ =	shalt  }
0x7d: {  	_ =	shalt  }
0x7e: {  	_ =	shalt  }
0x7f: {  	_ =	shalt  }
0x80: {  	_ =	shalt  }
0x81: {  	_ =	shalt  }
0x82: {  	_ =	shalt  }
0x83: {  	_ =	shalt  }
0x84: {  	_ =	shalt  }
0x85: {  	_ =	shalt  }
0x86: {  	_ =	shalt  }
0x87: {  	_ =	shalt  }
.Lfunc_end0:
.L_simem_size_0:
called_computation_lowered:
.L_overlay_start_0:
0x88: {  	s2 =	sld [smem:$0x3FD9]  }
0x89: {  	s3 =	sld [smem:$0x3FFE];
	_ =	sdelay $0x1  }
0x8a: {  	s1 =	srdreg.scid  }
0x8b: {  	s0 =	sand.u32 $0x1, s1  }
0x8c: {  	s17 =	sshll.u32 s0, $0xA;
	s2 =	sadd.s32 s3, s2  }
0x8d: {  	s2 =	sadd.s32 s2, s17  }
0x8e: {  	[smem:$0x3FC0] =	sst s2  }
0x8f: {  	_ = 	snop  }
0x90: {  	s2 =	sld [smem:$0x3FC9]  }
0x91: {  	s18 =	sld [smem:$0x3FD0];
	(tm) =	ssettm $0x1  }
0x92: {  	s4 =	sld [smem:$0x3FFB];
	_ =	sdelay $0x3  }
0x93: {  	_ =	strace s4  }
0x94: {  	s4 =	sld [smem:$0x3FFC];
	_ =	sdelay $0x3  }
0x95: {  	_ =	strace s4  }
0x96: {  	s4 =	sld [smem:$0x3FFD];
	_ =	sdelay $0x3  }
0x97: {  	_ =	strace s4  }
0x98: {  	_ =	strace $0x8FFFFFFF  }
0x99: {  	s19 =	sld [smem:$0x3FDB];
	_ =	sdelay $0x1  }
0x9a: {  	s5 =	simm.s32 $_scs_section_size  }
0x9b: {  	s6 =	simm.s32 $_size__tile_overlayer_lowered;
	s7 =	simm.s32 $_tile_overlayer_lowered  }
0x9c: {  	s22 =	simm.s32 $0x1BFF;
	s21 =	sshll.u32 s7, $0x1;
	s4 =	sadd.s32 s5, s19  }
0x9d: {  	s8 =	simm.s32 $0x0;
	s20 =	sshll.u32 s6, $0x1;
	s6 =	sadd.s32 s21, s4  }
0x9e: {  	[timem:s8], [sflag:s22] =	dma.local [hbm:s6], s20  }
0x9f: {  	_ =	swait.ge [sflag:s22], s20  }
0xa0: {  	s5 =	ssub.s32 $0x0, s20;
	[sflag:s22] =	ssyncset.done $0x0  }
0xa1: {  	[sflag:s22] =	ssyncadd.s32 s5;
	_ =	sdelay $0x1  }
0xa2: {  	s23 =	simm.s32 $0x1B8B  }
0xa3: {  	_ =	swait.ge [sflag:s23], $0x1  }
0xa4: {  	[sflag:s23] =	ssyncset.done $0x0  }
0xa5: {  	s25 =	simm.s32 $0x1B8E;
	s24 =	sld [smem:$0x3FFE];
	[sflag:s23] =	ssyncadd.s32 $0xFFFFFFFF  }
0xa6: {  	s26 =	simm.s32 $execute0_lowered;
	[smem:$0x3FD2] =	sst s25  }
0xa7: {  	s6 =	sshll.u32 s26, $0x1;
	_ =	strace $0x80000046;
	[dreg:$0x1] =	wrdreg $0xFFFFFFFF  }
0xa8: {  	s28 =	simm.s32 $_size_execute0_lowered;
	s4 =	sadd.s32 s4, s6;
	[dreg:$0x0] =	wrdreg $0x0  }
0xa9: {  	s6 =	sshll.u32 s28, $0x1;
	[dreg:$0x2] =	wrdreg s4  }
0xaa: {  	[dreg:$0x3] =	wrdreg s6  }
0xab: {  	[dreg:$0x4] =	wrdreg $0xC0  }
0xac: {  	_ =	task [dreg:s8], $0x5FFFF  }
0xad: {  	[dreg:$0x1] =	wrdreg $0xFFFFFFFF  }
0xae: {  	[dreg:$0x0] =	wrdreg $0x60  }
0xaf: {  	[dreg:$0x2] =	wrdreg s2  }
0xb0: {  	[dreg:$0x3] =	wrdreg s24  }
0xb1: {  	[dreg:$0x4] =	wrdreg s18  }
0xb2: {  	[dreg:$0x5] =	wrdreg $0x91000  }
0xb3: {  	[dreg:$0x6] =	wrdreg $0x1D4D00  }
0xb4: {  	[dreg:$0x7] =	wrdreg $0x9  }
0xb5: {  	_ =	task.clear_ibuf [dreg:s8], $0x8FFFF;
	_ =	strace $0x90000046  }
0xb6: {  	s29 =	simm.s32 $0x9;
	_ =	strace $0x80000048  }
0xb7: {  	_ =	swait.ge [sflag:s29], $0x1  }
0xb8: {  	[sflag:s29] =	ssyncadd.s32 $0xFFFFFFFF  }
0xb9: {  	_ =	strace $0x90000048  }
0xba: {  	_ =	sfence  }
0xbb: {  	s30 =	sld [smem:$0x0];
	_ =	sdelay $0x2  }
0xbc: {  	s31 =	sshll.u32 s1, $0xD;
	s1 =	sshrl.u32 s1, $0x2  }
0xbd: {  	s3 =	sand.u32 $0x4000, s31;
	s1 =	sadd.s32 s1, s30  }
0xbe: {  	s0 =	sor.u32 s3, s0;
	s1 =	sshll.u32 s1, $0x11  }
0xbf: {  	s0 =	sor.u32 s1, s0  }
0xc0: {  	s0 =	sadd.s32 $0x8F2B, s0  }
0xc1: {  	[sflag:s0] =	ssyncadd.remote.s32 $0x1  }
0xc2: {  	_ =	sfence.sel $0xFFFF  }
0xc3: {  	[dreg:$0x0] =	wrdreg $0xFFFFFFFF;
	(pc) =	sbr.abs _section_cstart, $3  }
0xc4: {  	[dreg:$0x1] =	wrdreg $0xFFFFFFFF  }
0xc5: {  	_ =	task.clear_ibuf [dreg:s8], $0x2FFFF;
	_ =	strace $0x9FFFFFFF  }
0xc6: {  	(tm) =	ssettm $0x7FFFFFFF  }
0xc7: {  	_ =	shalt  }
tec
execute0_lowered:
.L_overlay_start_1:
0x0: {  	(tag) =	ssettag $0x1  }
0x1: {  	s1 =	rddreg [dreg:$0x0]  }
0x2: {  	s0 =	rddreg [dreg:$0x1]  }
0x3: {  	s3 =	rddreg [dreg:$0x3]  }
0x4: {  	s5 =	rddreg [dreg:$0x4]  }
0x5: {  	s6 =	simm.s32 $0x0;
	s7 =	srdreg.scid;
	s2 =	stileid.u32  }
0x6: {  	s18 =	simm.s32 $0x5;
	s20 =	simm.s32 $0x1CD00;
	s21 =	simm.s32 $0xA00  }
0x7: {  	s22 =	simm.s32 $0x7D;
	s23 =	simm.s32 $0x1400;
	s28 =	simm.s32 $0x4  }
0x8: {  	s29 =	simm.s32 $0x0;
	[smem:$0x7FF] =	sst s6;
	s10 =	sand.u32 $0x1, s7  }
0x9: {  	s11 =	smul.u32 $0x13C00, s2;
	s7 =	sadd.s32 $0x2C00, s0;
	s8 =	sadd.s32 $0x16E00, s0  }
0xa: {  	s13 =	smul.u32 $0x2780, s2;
	s31 =	sshll.u32 s2, $0x6;
	_ =	strace $0x80000047  }
0xb: {  	s9 =	smul.u32 $0x13C000, s10;
	s15 =	sshll.u32 s10, $0x4;
	s16 =	ssub.s32 $0x2, s10  }
0xc: {  	s14 =	smul.u32 $0x27800, s10;
	s15 =	sor.u32 s2, s15;
	s26 =	sshrl.u32 s16, $0x1  }
0xd: {  	s17 =	sadd.s32 s11, s3;
	s19 =	sadd.s32 s13, s5;
	s12 =	sadd.s32 s11, s9  }
0xe: {  	s9 =	sadd.s32 $0x16C00, s0;
	s14 =	sadd.s32 s13, s14;
	s10 =	smul.u32 $0x2800, s15  }
0xf: {  	s16 =	ssub.s32 s16, s26;
	s17 =	sshrl.u32 s17, $0x3;
	s19 =	sshrl.u32 s19, $0x3  }
.Ltmp0:
0x10: {  	s26 =	simm.s32 $0x2;
	s12 =	sshrl.u32 s12, $0x3;
	(pc) =	sbr.rel .LBB2_1-.Ltmp0, $4  }
0x11: {  	s25 =	sshrl.u32 s14, $0x3;
	s16 =	smax.u32 s16, $0x1;
	s24 =	sadd.s32 s12, s0  }
0x12: {  	s0 =	sadd.s32 s25, s0;
	s30 =	sshrl.u32 s10, $0x3;
	s12 =	sor.u32 $0x1C05, s31  }
0x13: {  	s25 =	simm.s32 $0x5280;
	s11 =	sadd.s32 s7, s30;
	s14 =	sadd.s32 $0x19600, s24  }
0x14: {  	s15 =	sadd.s32 $0x68600, s0;
	s24 =	simm.s32 $0x1;
	s13 =	sadd.s32 $0xA000, s11  }
.LBB2_6:
0x15: {  	_ =	swait.ge [sflag:s28], $0x7D0  }
0x16: {  	[sflag:s28] =	ssyncset.done $0x0  }
0x17: {  	[sflag:s28] =	ssyncadd.s32 $0xFFFFF830  }
0x18: {  	_ =	swait.ge [sflag:s28], $0x7D0  }
0x19: {  	[sflag:s28] =	ssyncset.done $0x0  }
0x1a: {  	[sflag:s28] =	ssyncadd.s32 $0xFFFFF830  }
0x1b: {  	_ =	swait.ge [sflag:s28], $0x7D0  }
0x1c: {  	[sflag:s28] =	ssyncset.done $0x0  }
0x1d: {  	[sflag:s28] =	ssyncadd.s32 $0xFFFFF830  }
0x1e: {  	_ =	swait.ge [sflag:s28], $0x7D0  }
0x1f: {  	[sflag:s28] =	ssyncset.done $0x0  }
0x20: {  	[sflag:s28] =	ssyncadd.s32 $0xFFFFF830  }
0x21: {  	_ =	swait.ge [sflag:s28], $0x7D0  }
0x22: {  	[sflag:s28] =	ssyncset.done $0x0  }
0x23: {  	[sflag:s28] =	ssyncadd.s32 $0xFFFFF830  }
0x24: {  	_ =	swait.ge [sflag:s28], $0x7D0  }
0x25: {  	[sflag:s28] =	ssyncset.done $0x0  }
0x26: {  	[sflag:s28] =	ssyncadd.s32 $0xFFFFF830  }
0x27: {  	_ =	swait.ge [sflag:s28], $0x7D0  }
0x28: {  	[sflag:s28] =	ssyncset.done $0x0  }
0x29: {  	[sflag:s28] =	ssyncadd.s32 $0xFFFFF830  }
0x2a: {  	_ =	swait.ge [sflag:s28], $0x7D0  }
0x2b: {  	[sflag:s28] =	ssyncset.done $0x0  }
0x2c: {  	[sflag:s28] =	ssyncadd.s32 $0xFFFFF830  }
0x2d: {  	_ =	swait.ge [sflag:s28], $0x7D0  }
0x2e: {  	[sflag:s28] =	ssyncset.done $0x0  }
0x2f: {  	[sflag:s28] =	ssyncadd.s32 $0xFFFFF830  }
0x30: {  	_ =	swait.ge [sflag:s28], $0x7D0  }
0x31: {  	[sflag:s28] =	ssyncset.done $0x0  }
0x32: {  	[sflag:s28] =	ssyncadd.s32 $0xFFFFF830  }
0x33: {  	[bflag:$0x0] =	sbarrier.arrive $0xFFFF  }
0x34: {  	[hbm:s14], [sflag:s12] =	dma.local [spmem:s17], $0x2780  }
0x35: {  	s29 =	sadd.s32 $0x1, s29;
	_ =	swait.ge [sflag:s18], $0x2780  }
0x36: {  	p0 =	seq.s32 s29, s16;
	[sflag:s18] =	ssyncset.done $0x0  }
.Ltmp1:
0x37: {  	[sflag:s18] =	ssyncadd.s32 $0xFFFFD880;
	(pc) =	sbr.rel @p0 .LBB2_7-.Ltmp1, $4  }
0x38: {  	[hbm:s15], [sflag:s12] =	dma.local [spmem:s19], $0x4F0  }
0x39: {  	_ =	swait.ge [sflag:s18], $0x4F0  }
0x3a: {  	[sflag:s18] =	ssyncset.done $0x0  }
0x3b: {  	[sflag:s18] =	ssyncadd.s32 $0xFFFFFB10  }
.LBB2_1:
0x3c: {  	[spmem:s17], [sflag:s12] =	dma.local [hbm:s8], $0x2780  }
0x3d: {  	_ =	swait.ge [sflag:s18], $0x2780  }
0x3e: {  	[sflag:s18] =	ssyncset.done $0x0  }
0x3f: {  	[sflag:s18] =	ssyncadd.s32 $0xFFFFD880  }
0x40: {  	s0 =	rddreg [dreg:$0x2]  }
0x41: {  	[spmem:s19], [sflag:s12] =	dma.local [hbm:s0], $0x4F0  }
0x42: {  	_ =	swait.ge [sflag:s18], $0x4F0  }
0x43: {  	[sflag:s18] =	ssyncset.done $0x0  }
0x44: {  	[sflag:s18] =	ssyncadd.s32 $0xFFFFFB10  }
0x45: {  	[tilespmem:s20], [sflag:$0x5] =	stream.linear.gather [hbm4b:s9+s6], $0x7D0, $0x38;
	[tilespmem:$0x1FC50] =	vst v63  }
0x46: {  	_ =	swait.ge [sflag:s18], $0x7D0  }
0x47: {  	[sflag:s18] =	ssyncset.done $0x0  }
0x48: {  	[sflag:s18] =	ssyncadd.s32 $0xFFFFF830  }
0x49: {  	[tilespmem:s6], [sflag:$0x5] =	stream.linear.gather [hbm4b:s11+s6], $0x500, $0x38;
	[tilespmem:$0x1FC50] =	vst v63  }
0x4a: {  	_ =	swait.ge [sflag:s18], $0x500  }
0x4b: {  	[sflag:s18] =	ssyncset.done $0x0  }
0x4c: {  	[sflag:s18] =	ssyncadd.s32 $0xFFFFFB00  }
0x4d: {  	[tilespmem:s21], [sflag:$0x5] =	stream.linear.gather [hbm4b:s13+s6], $0x500, $0x38;
	[tilespmem:$0x1FC50] =	vst v63  }
.Ltmp2:
0x4e: {  	_ =	swait.ge [sflag:s18], $0x500;
	(pc) =	sbr.rel .LBB2_2-.Ltmp2, $4  }
0x4f: {  	[sflag:s18] =	ssyncset.done $0x0  }
0x50: {  	[sflag:s18] =	ssyncadd.s32 $0xFFFFFB00  }
0x51: {  	s30 =	simm.s32 $0x0;
	[bflag:$0x0] =	sbarrier.arrive $0xFFFF  }
0x52: {  	[tilespmem:s23], [sflag:$0x1] =	stream.indirect.gather [hbm4b:s1+s22], $0x80, s6, s22, $0xb8;
	[tilespmem:$0x1FC50] =	vst v63  }
.LBB2_4:
0x53: {  	s30 =	sadd.s32 @!p1 $0x1, s30  }
0x54: {  	s30 =	simm.s32 @p1 $0x1  }
0x55: {  	s31 =	smul.u32 $0x500, s30;
	_ =	sdelay $0x1  }
0x56: {  	s4 =	sxor.u32 $0x1, s0;
	s31 =	sadd.s32 s10, s31  }
0x57: {  	s2 =	smul.u32 $0x500, s4;
	s31 =	sshrl.u32 s31, $0x3  }
0x58: {  	s31 =	sadd.s32 s7, s31  }
0x59: {  	[tilespmem:s2], [sflag:$0x3] =	stream.linear.gather [hbm4b:s31+s6], $0x500, $0x38;
	[tilespmem:$0x1FC50] =	vst v63  }
0x5a: {  	s2 =	sadd.s32 $0xA00, s2;
	s31 =	sadd.s32 $0xA000, s31  }
0x5b: {  	[tilespmem:s2], [sflag:$0x3] =	stream.linear.gather [hbm4b:s31+s6], $0x500, $0x38;
	[tilespmem:$0x1FC50] =	vst v63  }
0x5c: {  	p0 =	por $0x1, $0x1;
	s31 =	smul.u32 $0x1400, s4  }
.LBB2_5:
0x5d: {  	s0 =	smul.u32 $0x500, s0;
	_ =	sdelay $0x1  }
0x5e: {  	s2 =	sor.u32 $0x80, s0  }
0x5f: {  	[tilespmem:s25], [sflag:$0x2] =	stream.indirect.gather [hbm4b:s1+s22], $0x80, s2, s22, $0xb8;
	[tilespmem:$0x1FC50] =	vst v63  }
0x60: {  	_ =	swait.ge [sflag:s24], $0x3E80  }
0x61: {  	[sflag:s24] =	ssyncset.done $0x0  }
0x62: {  	s4 =	sadd.s32 $0xA00, s0;
	[sflag:s24] =	ssyncadd.s32 $0xFFFFC180  }
0x63: {  	[spmem:s3] =	stream.indirect.scatter.add.f32 [tilespmem:s23], [sflag:$0x5], $0x80, s4, s22, $0xb8;
	[tilespmem:$0x1FC50] =	vst v63  }
0x64: {  	_ =	swait.ge [sflag:s18], $0x3E80  }
0x65: {  	[sflag:s18] =	ssyncset.done $0x0  }
0x66: {  	[sflag:s18] =	ssyncadd.s32 $0xFFFFC180  }
0x67: {  	[spmem:s5] =	stream.indirect.scatter.add.f32 [tilespmem:s20], [sflag:$0x4], $0x10, s4, s22, $0xb8;
	[tilespmem:$0x1FC50] =	vst v63  }
0x68: {  	s4 =	sadd.s32 $0x100, s0  }
0x69: {  	[tilespmem:s23], [sflag:$0x1] =	stream.indirect.gather [hbm4b:s1+s22], $0x80, s4, s22, $0xb8;
	[tilespmem:$0x1FC50] =	vst v63  }
0x6a: {  	_ =	swait.ge [sflag:s26], $0x3E80  }
0x6b: {  	[sflag:s26] =	ssyncset.done $0x0  }
0x6c: {  	s4 =	sadd.s32 $0xA80, s0;
	[sflag:s26] =	ssyncadd.s32 $0xFFFFC180  }
0x6d: {  	[spmem:s3] =	stream.indirect.scatter.add.f32 [tilespmem:s25], [sflag:$0x5], $0x80, s4, s22, $0xb8;
	[tilespmem:$0x1FC50] =	vst v63  }
0x6e: {  	_ =	swait.ge [sflag:s18], $0x3E80  }
0x6f: {  	[sflag:s18] =	ssyncset.done $0x0  }
0x70: {  	[sflag:s18] =	ssyncadd.s32 $0xFFFFC180  }
0x71: {  	[spmem:s5] =	stream.indirect.scatter.add.f32 [tilespmem:s20], [sflag:$0x4], $0x10, s4, s22, $0xb8;
	[tilespmem:$0x1FC50] =	vst v63  }
0x72: {  	s4 =	sadd.s32 $0x180, s0  }
0x73: {  	[tilespmem:s25], [sflag:$0x2] =	stream.indirect.gather [hbm4b:s1+s22], $0x80, s4, s22, $0xb8;
	[tilespmem:$0x1FC50] =	vst v63  }
0x74: {  	_ =	swait.ge [sflag:s24], $0x3E80  }
0x75: {  	[sflag:s24] =	ssyncset.done $0x0  }
0x76: {  	s4 =	sadd.s32 $0xB00, s0;
	[sflag:s24] =	ssyncadd.s32 $0xFFFFC180  }
0x77: {  	[spmem:s3] =	stream.indirect.scatter.add.f32 [tilespmem:s23], [sflag:$0x5], $0x80, s4, s22, $0xb8;
	[tilespmem:$0x1FC50] =	vst v63  }
0x78: {  	_ =	swait.ge [sflag:s18], $0x3E80  }
0x79: {  	[sflag:s18] =	ssyncset.done $0x0  }
0x7a: {  	[sflag:s18] =	ssyncadd.s32 $0xFFFFC180  }
0x7b: {  	[spmem:s5] =	stream.indirect.scatter.add.f32 [tilespmem:s20], [sflag:$0x4], $0x10, s4, s22, $0xb8;
	[tilespmem:$0x1FC50] =	vst v63  }
0x7c: {  	s4 =	sadd.s32 $0x200, s0  }
0x7d: {  	[tilespmem:s23], [sflag:$0x1] =	stream.indirect.gather [hbm4b:s1+s22], $0x80, s4, s22, $0xb8;
	[tilespmem:$0x1FC50] =	vst v63  }
0x7e: {  	_ =	swait.ge [sflag:s26], $0x3E80  }
0x7f: {  	[sflag:s26] =	ssyncset.done $0x0  }
0x80: {  	s4 =	sadd.s32 $0xB80, s0;
	[sflag:s26] =	ssyncadd.s32 $0xFFFFC180  }
0x81: {  	[spmem:s3] =	stream.indirect.scatter.add.f32 [tilespmem:s25], [sflag:$0x5], $0x80, s4, s22, $0xb8;
	[tilespmem:$0x1FC50] =	vst v63  }
0x82: {  	_ =	swait.ge [sflag:s18], $0x3E80  }
0x83: {  	[sflag:s18] =	ssyncset.done $0x0  }
0x84: {  	[sflag:s18] =	ssyncadd.s32 $0xFFFFC180  }
0x85: {  	[spmem:s5] =	stream.indirect.scatter.add.f32 [tilespmem:s20], [sflag:$0x4], $0x10, s4, s22, $0xb8;
	[tilespmem:$0x1FC50] =	vst v63  }
0x86: {  	s4 =	sadd.s32 $0x280, s0  }
0x87: {  	[tilespmem:s25], [sflag:$0x2] =	stream.indirect.gather [hbm4b:s1+s22], $0x80, s4, s22, $0xb8;
	[tilespmem:$0x1FC50] =	vst v63  }
0x88: {  	_ =	swait.ge [sflag:s24], $0x3E80  }
0x89: {  	[sflag:s24] =	ssyncset.done $0x0  }
0x8a: {  	s4 =	sadd.s32 $0xC00, s0;
	[sflag:s24] =	ssyncadd.s32 $0xFFFFC180  }
0x8b: {  	[spmem:s3] =	stream.indirect.scatter.add.f32 [tilespmem:s23], [sflag:$0x5], $0x80, s4, s22, $0xb8;
	[tilespmem:$0x1FC50] =	vst v63  }
0x8c: {  	_ =	swait.ge [sflag:s18], $0x3E80  }
0x8d: {  	[sflag:s18] =	ssyncset.done $0x0  }
0x8e: {  	[sflag:s18] =	ssyncadd.s32 $0xFFFFC180  }
0x8f: {  	[spmem:s5] =	stream.indirect.scatter.add.f32 [tilespmem:s20], [sflag:$0x4], $0x10, s4, s22, $0xb8;
	[tilespmem:$0x1FC50] =	vst v63  }
0x90: {  	s4 =	sadd.s32 $0x300, s0  }
0x91: {  	[tilespmem:s23], [sflag:$0x1] =	stream.indirect.gather [hbm4b:s1+s22], $0x80, s4, s22, $0xb8;
	[tilespmem:$0x1FC50] =	vst v63  }
0x92: {  	_ =	swait.ge [sflag:s26], $0x3E80  }
0x93: {  	[sflag:s26] =	ssyncset.done $0x0  }
0x94: {  	s4 =	sadd.s32 $0xC80, s0;
	[sflag:s26] =	ssyncadd.s32 $0xFFFFC180  }
0x95: {  	[spmem:s3] =	stream.indirect.scatter.add.f32 [tilespmem:s25], [sflag:$0x5], $0x80, s4, s22, $0xb8;
	[tilespmem:$0x1FC50] =	vst v63  }
0x96: {  	_ =	swait.ge [sflag:s18], $0x3E80  }
0x97: {  	[sflag:s18] =	ssyncset.done $0x0  }
0x98: {  	[sflag:s18] =	ssyncadd.s32 $0xFFFFC180  }
0x99: {  	[spmem:s5] =	stream.indirect.scatter.add.f32 [tilespmem:s20], [sflag:$0x4], $0x10, s4, s22, $0xb8;
	[tilespmem:$0x1FC50] =	vst v63  }
0x9a: {  	s4 =	sadd.s32 $0x380, s0  }
0x9b: {  	[tilespmem:s25], [sflag:$0x2] =	stream.indirect.gather [hbm4b:s1+s22], $0x80, s4, s22, $0xb8;
	[tilespmem:$0x1FC50] =	vst v63  }
0x9c: {  	_ =	swait.ge [sflag:s24], $0x3E80  }
0x9d: {  	[sflag:s24] =	ssyncset.done $0x0  }
0x9e: {  	s4 =	sadd.s32 $0xD00, s0;
	[sflag:s24] =	ssyncadd.s32 $0xFFFFC180  }
0x9f: {  	[spmem:s3] =	stream.indirect.scatter.add.f32 [tilespmem:s23], [sflag:$0x5], $0x80, s4, s22, $0xb8;
	[tilespmem:$0x1FC50] =	vst v63  }
0xa0: {  	_ =	swait.ge [sflag:s18], $0x3E80  }
0xa1: {  	[sflag:s18] =	ssyncset.done $0x0  }
0xa2: {  	[sflag:s18] =	ssyncadd.s32 $0xFFFFC180  }
0xa3: {  	[spmem:s5] =	stream.indirect.scatter.add.f32 [tilespmem:s20], [sflag:$0x4], $0x10, s4, s22, $0xb8;
	[tilespmem:$0x1FC50] =	vst v63  }
0xa4: {  	s4 =	sadd.s32 $0x400, s0  }
0xa5: {  	[tilespmem:s23], [sflag:$0x1] =	stream.indirect.gather [hbm4b:s1+s22], $0x80, s4, s22, $0xb8;
	[tilespmem:$0x1FC50] =	vst v63  }
0xa6: {  	_ =	swait.ge [sflag:s26], $0x3E80  }
0xa7: {  	[sflag:s26] =	ssyncset.done $0x0  }
0xa8: {  	s4 =	sadd.s32 $0xD80, s0;
	[sflag:s26] =	ssyncadd.s32 $0xFFFFC180  }
0xa9: {  	[spmem:s3] =	stream.indirect.scatter.add.f32 [tilespmem:s25], [sflag:$0x5], $0x80, s4, s22, $0xb8;
	[tilespmem:$0x1FC50] =	vst v63  }
0xaa: {  	_ =	swait.ge [sflag:s18], $0x3E80  }
0xab: {  	[sflag:s18] =	ssyncset.done $0x0  }
0xac: {  	[sflag:s18] =	ssyncadd.s32 $0xFFFFC180  }
0xad: {  	[spmem:s5] =	stream.indirect.scatter.add.f32 [tilespmem:s20], [sflag:$0x4], $0x10, s4, s22, $0xb8;
	[tilespmem:$0x1FC50] =	vst v63  }
0xae: {  	s2 =	sadd.s32 $0x480, s0  }
0xaf: {  	[tilespmem:s25], [sflag:$0x2] =	stream.indirect.gather [hbm4b:s1+s22], $0x80, s2, s22, $0xb8;
	[tilespmem:$0x1FC50] =	vst v63  }
0xb0: {  	_ =	swait.ge [sflag:s24], $0x3E80  }
0xb1: {  	[sflag:s24] =	ssyncset.done $0x0  }
0xb2: {  	s0 =	sadd.s32 $0xE00, s0;
	[sflag:s24] =	ssyncadd.s32 $0xFFFFC180  }
0xb3: {  	[spmem:s3] =	stream.indirect.scatter.add.f32 [tilespmem:s23], [sflag:$0x5], $0x80, s0, s22, $0xb8;
	[tilespmem:$0x1FC50] =	vst v63  }
0xb4: {  	_ =	swait.ge [sflag:s18], $0x3E80  }
0xb5: {  	[sflag:s18] =	ssyncset.done $0x0  }
0xb6: {  	[sflag:s18] =	ssyncadd.s32 $0xFFFFC180  }
0xb7: {  	[spmem:s5] =	stream.indirect.scatter.add.f32 [tilespmem:s20], [sflag:$0x4], $0x10, s0, s22, $0xb8;
	[tilespmem:$0x1FC50] =	vst v63  }
0xb8: {  	s0 =	simm.s32 @p0 $0x3  }
0xb9: {  	_ =	swait.ge @p0 [sflag:s0], $0x500  }
0xba: {  	[sflag:s0] =	ssyncset.done @p0 $0x0  }
0xbb: {  	[sflag:s0] =	ssyncadd.s32 @p0 $0xFFFFFB00  }
0xbc: {  	_ =	swait.ge @p0 [sflag:s0], $0x500  }
0xbd: {  	s4 =	sshrl.u32 @p0 s31, $0x2;
	[sflag:s0] =	ssyncset.done @p0 $0x0  }
0xbe: {  	s31 =	simm.s32 @p0 $0x1400;
	[sflag:s0] =	ssyncadd.s32 @p0 $0xFFFFFB00;
	s0 =	simm.s32 @p0 $0x7D  }
0xbf: {  	[tilespmem:s31], [sflag:$0x1] =	stream.indirect.gather @p0 [hbm4b:s1+s0], $0x80, s4, s0, $0xb8;
	[tilespmem:$0x1FC50] =	vst v63  }
0xc0: {  	_ =	swait.ge [sflag:s26], $0x3E80  }
0xc1: {  	[sflag:s26] =	ssyncset.done $0x0  }
0xc2: {  	s31 =	sadd.s32 $0xA00, s2;
	p0 =	slt.u32 s30, $0x8;
	[sflag:s26] =	ssyncadd.s32 $0xFFFFC180  }
0xc3: {  	[spmem:s3] =	stream.indirect.scatter.add.f32 [tilespmem:s25], [sflag:$0x5], $0x80, s31, s22, $0xb8;
	[tilespmem:$0x1FC50] =	vst v63  }
.Ltmp3:
0xc4: {  	_ = 	snop;
	(pc) =	sbr.rel @!p0 .LBB2_6-.Ltmp3, $4  }
0xc5: {  	_ =	swait.ge [sflag:s18], $0x3E80  }
0xc6: {  	[sflag:s18] =	ssyncset.done $0x0  }
0xc7: {  	[sflag:s18] =	ssyncadd.s32 $0xFFFFC180  }
0xc8: {  	[spmem:s5] =	stream.indirect.scatter.add.f32 [tilespmem:s20], [sflag:$0x4], $0x10, s31, s22, $0xb8;
	[tilespmem:$0x1FC50] =	vst v63  }
.LBB2_2:
0xc9: {  	p1 =	seq.s32 s30, $0x0  }
0xca: {  	s31 =	simm.s32 @!p1 $0x4  }
0xcb: {  	_ =	swait.ge @!p1 [sflag:s31], $0x7D0  }
0xcc: {  	[sflag:s31] =	ssyncset.done @!p1 $0x0  }
0xcd: {  	[sflag:s31] =	ssyncadd.s32 @!p1 $0xFFFFF830  }
0xce: {  	_ =	swait.ge @!p1 [sflag:s31], $0x7D0  }
0xcf: {  	[sflag:s31] =	ssyncset.done @!p1 $0x0  }
0xd0: {  	[sflag:s31] =	ssyncadd.s32 @!p1 $0xFFFFF830  }
0xd1: {  	_ =	swait.ge @!p1 [sflag:s31], $0x7D0  }
0xd2: {  	[sflag:s31] =	ssyncset.done @!p1 $0x0  }
0xd3: {  	[sflag:s31] =	ssyncadd.s32 @!p1 $0xFFFFF830  }
0xd4: {  	_ =	swait.ge @!p1 [sflag:s31], $0x7D0  }
0xd5: {  	[sflag:s31] =	ssyncset.done @!p1 $0x0  }
0xd6: {  	[sflag:s31] =	ssyncadd.s32 @!p1 $0xFFFFF830  }
0xd7: {  	_ =	swait.ge @!p1 [sflag:s31], $0x7D0  }
0xd8: {  	[sflag:s31] =	ssyncset.done @!p1 $0x0  }
0xd9: {  	[sflag:s31] =	ssyncadd.s32 @!p1 $0xFFFFF830  }
0xda: {  	_ =	swait.ge @!p1 [sflag:s31], $0x7D0  }
0xdb: {  	[sflag:s31] =	ssyncset.done @!p1 $0x0  }
0xdc: {  	[sflag:s31] =	ssyncadd.s32 @!p1 $0xFFFFF830  }
0xdd: {  	_ =	swait.ge @!p1 [sflag:s31], $0x7D0  }
0xde: {  	[sflag:s31] =	ssyncset.done @!p1 $0x0  }
0xdf: {  	[sflag:s31] =	ssyncadd.s32 @!p1 $0xFFFFF830  }
0xe0: {  	_ =	swait.ge @!p1 [sflag:s31], $0x7D0  }
0xe1: {  	[sflag:s31] =	ssyncset.done @!p1 $0x0  }
0xe2: {  	p0 =	seq.s32 @!p1 s30, $0x7;
	[sflag:s31] =	ssyncadd.s32 @!p1 $0xFFFFF830  }
0xe3: {  	p0 =	por p1, !p0;
	_ =	swait.ge @!p1 [sflag:s31], $0x7D0  }
.Ltmp4:
0xe4: {  	[sflag:s31] =	ssyncset.done @!p1 $0x0;
	(pc) =	sbr.rel @p0 .LBB2_4-.Ltmp4, $4  }
0xe5: {  	[sflag:s31] =	ssyncadd.s32 @!p1 $0xFFFFF830  }
0xe6: {  	_ =	swait.ge @!p1 [sflag:s31], $0x7D0  }
0xe7: {  	[sflag:s31] =	ssyncset.done @!p1 $0x0  }
0xe8: {  	s0 =	sand.u32 $0x1, s30;
	[sflag:s31] =	ssyncadd.s32 @!p1 $0xFFFFF830  }
.Ltmp5:
0xe9: {  	(pc) =	sbr.rel .LBB2_5-.Ltmp5, $2  }
0xea: {  	_ =	sdelay $0x2  }
0xeb: {  	s30 =	simm.s32 @!p1 $0x8;
	p0 =	por @!p1 $0x0, $0x0;
	s31 =	simm.s32 @!p1 $0x0  }
.LBB2_7:
0xec: {  	_ =	sfence.sel $0x180000  }
0xed: {  	[bflag:$0x0] =	sbarrier.arrive $0xFFFF  }
0xee: {  	_ =	strace $0x90000047  }
0xef: {  	s0 =	stileid.u32;
	[bflag:$0x2] =	sbarrier.arrive $0xFFFF  }
0xf0: {  	p0 =	sne.s32 s0, $0x0;
	s0 =	rddreg [dreg:$0x5]  }
0xf1: {  	s0 =	sadd.s32 @!p0 $0x100000, s0  }
0xf2: {  	[sflag:s0] =	ssyncadd.tile.s32 @!p0 $0x1;
	_ =	shalt  }
.Lfunc_end2:
_tile_overlayer_lowered:
.L_overlay_start_2:
0xf3: {  	(tag) =	ssettag $0x2  }
0xf4: {  	s0 =	rddreg [dreg:$0x0];
	s2 =	stileid.u32  }
0xf5: {  	s1 =	rddreg [dreg:$0x1];
	p0 =	sne.s32 s2, $0x0  }
0xf6: {  	s3 =	rddreg [dreg:$0x2];
	[bflag:$0x3] =	sbarrier.arrive $0xFFFF;
	s2 =	simm.s32 @!p0 $0x1C05  }
0xf7: {  	[timem:s3], [sflag:s2] =	dma.local @!p0 [hbm:s0], s1  }
0xf8: {  	s0 =	simm.s32 @!p0 $0x5  }
0xf9: {  	_ =	swait.ge @!p0 [sflag:s0], s1  }
0xfa: {  	s1 =	ssub.s32 @!p0 $0x0, s1;
	[sflag:s0] =	ssyncset.done @!p0 $0x0  }
0xfb: {  	[sflag:s0] =	ssyncadd.s32 @!p0 s1  }
0xfc: {  	[bflag:$0x3] =	sbarrier.arrive $0xFFFF  }
0xfd: {  	_ =	shalt  }

// kernel: kernel.9.cloned.1.call-start
scs
__scs_entry_jumppad:
0x0: {  	(pc) =	sbr.rel $0x88, $3  }
0x1: {  	(tag) =	ssettag $0x0;
	lr =	simm.s32 $0x1  }
0x2: {  	[smem:$0x3F99] =	sst lr;
	_ =	strace $0xD0000000  }
0x3: {  	_ = 	snop  }
0x4: {  	_ = 	snop  }
0x5: {  	_ = 	snop  }
0x6: {  	_ = 	snop  }
0x7: {  	_ = 	snop  }
__scs_overlays_trampoline_lowered:
0x8: {  	[smem:$0x3FA8] =	sst s0  }
0x9: {  	[smem:$0x3FA9] =	sst s1  }
0xa: {  	[smem:$0x3FAA] =	sst s2  }
0xb: {  	[smem:$0x3FAB] =	sst s3  }
0xc: {  	[smem:$0x3FAC] =	sst s4  }
0xd: {  	[smem:$0x3FAD] =	sst s5  }
0xe: {  	[smem:$0x3FAE] =	sst s6  }
0xf: {  	[smem:$0x3FAF] =	sst s7  }
0x10: {  	[smem:$0x3FB0] =	sst s8  }
0x11: {  	[smem:$0x3FB1] =	sst s9;
	s0 =	simm.s32 @!p0 $0x0  }
0x12: {  	s1 =	sld [smem:$0x3F97];
	s0 =	simm.s32 @p0 $0x1  }
0x13: {  	[smem:$0x3FB2] =	sst s0;
	s0 =	simm.s32 @!p1 $0x0  }
0x14: {  	s2 =	sld [smem:$0x3F96];
	s0 =	simm.s32 @p1 $0x1  }
0x15: {  	[smem:$0x3FB3] =	sst s0;
	s0 =	simm.s32 @!p2 $0x0  }
0x16: {  	s3 =	sld [smem:$0x3FDB];
	s0 =	simm.s32 @p2 $0x1  }
0x17: {  	s4 =	simm.s32 $0x1BF5;
	[smem:$0x3FB5] =	sst s0  }
0x18: {  	s0 =	sld [smem:$0x3F98];
	_ =	swait.ge [sflag:s4], $0x0  }
0x19: {  	s7 =	sld [smem:$0x3F99]  }
0x1a: {  	s8 =	sadd.s32 $0xFFFFE003, lr  }
0x1b: {  	s9 =	sadd.s32 $0xFFFFFEF7, lr;
	s5 =	simm.s32 $0xFFFFFFFF;
	p2 =	slt.u32 s8, $0xFFFFF086  }
0x1c: {  	p1 =	slt.u32 s9, $0xF7A;
	s5 =	simm.s32 @!p2 $0x0  }
0x1d: {  	s5 =	simm.s32 @p1 $0x1;
	p0 =	seq.s32 s7, s2  }
0x1e: {  	s7 =	smul.u32 @!p0 $0xF7A, s2;
	p2 =	seq.s32 @!p0 s5, $0x0  }
0x1f: {  	s9 =	smul.u32 $0xF7A, s1;
	s8 =	simm.s32 @!p0 $0x1BF5;
	p2 =	por !p2, p0  }
0x20: {  	[sflag:s8] =	ssyncset.s32 @!p0 $0xFFFFF086;
	s6 =	sadd.s32 @!p0 s3, s7;
	s7 =	simm.s32 @!p0 $0x108  }
0x21: {  	s3 =	sadd.s32 s3, s9;
	s6 =	sadd.s32 @!p0 $0x88, s6;
	s7 =	simm.s32 @p2 $0x1082  }
0x22: {  	[simem:s7], [sflag:s8] =	dma.local @!p0 [hbm:s6], $0xF7A  }
0x23: {  	s9 =	sor.u32 $0xD0000000, s2;
	s6 =	simm.s32 $0x108;
	_ =	swait.ge @!p0 [sflag:s8], $0x0  }
0x24: {  	s3 =	sadd.s32 $0x88, s3;
	s6 =	simm.s32 @!p1 $0x1082;
	[sflag:s4] =	ssyncset.s32 $0xFFFFF086  }
0x25: {  	[simem:s6], [sflag:s4] =	dma.local [hbm:s3], $0xF7A  }
0x26: {  	[smem:$0x3F99] =	sst s1;
	(tag) =	ssettag s2;
	_ =	strace s9  }
0x27: {  	s1 =	sld [smem:$0x3FA9]  }
0x28: {  	s2 =	sld [smem:$0x3FAA]  }
0x29: {  	s4 =	sld [smem:$0x3FAC]  }
0x2a: {  	p0 =	seq.s32 s5, $0x0;
	s5 =	sld [smem:$0x3FAD]  }
0x2b: {  	s6 =	sld [smem:$0x3FAE]  }
0x2c: {  	s7 =	sld [smem:$0x3FAF]  }
0x2d: {  	s3 =	simm.s32 $0x108;
	s8 =	sld [smem:$0x3FB0]  }
0x2e: {  	s3 =	simm.s32 @!p0 $0x1082;
	s9 =	sld [smem:$0x3FB1]  }
0x2f: {  	lr =	sadd.s32 s0, s3;
	s0 =	sld [smem:$0x3FA8]  }
0x30: {  	s3 =	sld [smem:$0x3FAB]  }
0x31: {  	[smem:$0x3FB4] =	sst s10  }
0x32: {  	s10 =	sld [smem:$0x3FB2];
	_ =	sdelay $0x3  }
0x33: {  	p0 =	seq.s32 s10, $0x1;
	s10 =	sld [smem:$0x3FB4];
	_ =	sdelay $0x3  }
0x34: {  	[smem:$0x3FB4] =	sst s10  }
0x35: {  	s10 =	sld [smem:$0x3FB3];
	_ =	sdelay $0x3  }
0x36: {  	p1 =	seq.s32 s10, $0x1;
	s10 =	sld [smem:$0x3FB4];
	_ =	sdelay $0x3  }
0x37: {  	[smem:$0x3FB4] =	sst s10  }
0x38: {  	s10 =	sld [smem:$0x3FB5]  }
0x39: {  	_ = 	snop;
	(pc) =	sbr.ind lr, $3  }
0x3a: {  	_ = 	snop  }
0x3b: {  	_ = 	snop  }
0x3c: {  	p2 =	seq.s32 s10, $0x1;
	s10 =	sld [smem:$0x3FB4]  }
0x3d: {  	_ =	shalt  }
0x3e: {  	_ =	shalt  }
0x3f: {  	_ =	shalt  }
0x40: {  	_ =	shalt  }
0x41: {  	_ =	shalt  }
0x42: {  	_ =	shalt  }
0x43: {  	_ =	shalt  }
0x44: {  	_ =	shalt  }
0x45: {  	_ =	shalt  }
0x46: {  	_ =	shalt  }
0x47: {  	_ =	shalt  }
0x48: {  	_ =	shalt  }
0x49: {  	_ =	shalt  }
0x4a: {  	_ =	shalt  }
0x4b: {  	_ =	shalt  }
0x4c: {  	_ =	shalt  }
0x4d: {  	_ =	shalt  }
0x4e: {  	_ =	shalt  }
0x4f: {  	_ =	shalt  }
0x50: {  	_ =	shalt  }
0x51: {  	_ =	shalt  }
0x52: {  	_ =	shalt  }
0x53: {  	_ =	shalt  }
0x54: {  	_ =	shalt  }
0x55: {  	_ =	shalt  }
0x56: {  	_ =	shalt  }
0x57: {  	_ =	shalt  }
0x58: {  	_ =	shalt  }
0x59: {  	_ =	shalt  }
0x5a: {  	_ =	shalt  }
0x5b: {  	_ =	shalt  }
0x5c: {  	_ =	shalt  }
0x5d: {  	_ =	shalt  }
0x5e: {  	_ =	shalt  }
0x5f: {  	_ =	shalt  }
0x60: {  	_ =	shalt  }
0x61: {  	_ =	shalt  }
0x62: {  	_ =	shalt  }
0x63: {  	_ =	shalt  }
0x64: {  	_ =	shalt  }
0x65: {  	_ =	shalt  }
0x66: {  	_ =	shalt  }
0x67: {  	_ =	shalt  }
0x68: {  	_ =	shalt  }
0x69: {  	_ =	shalt  }
0x6a: {  	_ =	shalt  }
0x6b: {  	_ =	shalt  }
0x6c: {  	_ =	shalt  }
0x6d: {  	_ =	shalt  }
0x6e: {  	_ =	shalt  }
0x6f: {  	_ =	shalt  }
0x70: {  	_ =	shalt  }
0x71: {  	_ =	shalt  }
0x72: {  	_ =	shalt  }
0x73: {  	_ =	shalt  }
0x74: {  	_ =	shalt  }
0x75: {  	_ =	shalt  }
0x76: {  	_ =	shalt  }
0x77: {  	_ =	shalt  }
0x78: {  	_ =	shalt  }
0x79: {  	_ =	shalt  }
0x7a: {  	_ =	shalt  }
0x7b: {  	_ =	shalt  }
0x7c: {  	_ =	shalt  }
0x7d: {  	_ =	shalt  }
0x7e: {  	_ =	shalt  }
0x7f: {  	_ =	shalt  }
0x80: {  	_ =	shalt  }
0x81: {  	_ =	shalt  }
0x82: {  	_ =	shalt  }
0x83: {  	_ =	shalt  }
0x84: {  	_ =	shalt  }
0x85: {  	_ =	shalt  }
0x86: {  	_ =	shalt  }
0x87: {  	_ =	shalt  }
.Lfunc_end0:
.L_simem_size_0:
called_computation.1_lowered:
.L_overlay_start_0:
0x88: {  	s2 =	sld [smem:$0x3FD9]  }
0x89: {  	s3 =	sld [smem:$0x3FFE];
	_ =	sdelay $0x1  }
0x8a: {  	s1 =	srdreg.scid  }
0x8b: {  	s0 =	sand.u32 $0x1, s1  }
0x8c: {  	s17 =	sshll.u32 s0, $0xA;
	s2 =	sadd.s32 s3, s2  }
0x8d: {  	s2 =	sadd.s32 s2, s17  }
0x8e: {  	[smem:$0x3FC0] =	sst s2  }
0x8f: {  	_ = 	snop  }
0x90: {  	s2 =	sld [smem:$0x3FD0];
	(tm) =	ssettm $0x1  }
0x91: {  	s18 =	sld [smem:$0x3FFB];
	_ =	sdelay $0x3  }
0x92: {  	_ =	strace s18  }
0x93: {  	s3 =	sld [smem:$0x3FFC];
	_ =	sdelay $0x3  }
0x94: {  	_ =	strace s3  }
0x95: {  	s3 =	sld [smem:$0x3FFD];
	_ =	sdelay $0x3  }
0x96: {  	_ =	strace s3  }
0x97: {  	_ =	strace $0x8FFFFFFF  }
0x98: {  	s19 =	sld [smem:$0x3FDB];
	_ =	sdelay $0x1  }
0x99: {  	s4 =	simm.s32 $_scs_section_size  }
0x9a: {  	s5 =	simm.s32 $_size__tile_overlayer_lowered;
	s6 =	simm.s32 $_tile_overlayer_lowered  }
0x9b: {  	s22 =	simm.s32 $0x1BFF;
	s21 =	sshll.u32 s6, $0x1;
	s3 =	sadd.s32 s4, s19  }
0x9c: {  	s7 =	simm.s32 $0x0;
	s20 =	sshll.u32 s5, $0x1;
	s5 =	sadd.s32 s21, s3  }
0x9d: {  	[timem:s7], [sflag:s22] =	dma.local [hbm:s5], s20  }
0x9e: {  	_ =	swait.ge [sflag:s22], s20  }
0x9f: {  	s4 =	ssub.s32 $0x0, s20;
	[sflag:s22] =	ssyncset.done $0x0  }
0xa0: {  	[sflag:s22] =	ssyncadd.s32 s4;
	_ =	sdelay $0x1  }
0xa1: {  	s23 =	simm.s32 $0x1B8B  }
0xa2: {  	_ =	swait.ge [sflag:s23], $0x1  }
0xa3: {  	[sflag:s23] =	ssyncset.done $0x0  }
0xa4: {  	s25 =	simm.s32 $0x1B8E;
	s24 =	sld [smem:$0x3FFE];
	[sflag:s23] =	ssyncadd.s32 $0xFFFFFFFF  }
0xa5: {  	s26 =	simm.s32 $execute0_lowered;
	[smem:$0x3FD2] =	sst s25  }
0xa6: {  	s5 =	sshll.u32 s26, $0x1;
	_ =	strace $0x80000049;
	[dreg:$0x1] =	wrdreg $0xFFFFFFFF  }
0xa7: {  	s28 =	simm.s32 $_size_execute0_lowered;
	s3 =	sadd.s32 s3, s5;
	[dreg:$0x0] =	wrdreg $0x0  }
0xa8: {  	s5 =	sshll.u32 s28, $0x1;
	[dreg:$0x2] =	wrdreg s3  }
0xa9: {  	[dreg:$0x3] =	wrdreg s5  }
0xaa: {  	[dreg:$0x4] =	wrdreg $0xC0  }
0xab: {  	_ =	task [dreg:s7], $0x5FFFF  }
0xac: {  	[dreg:$0x1] =	wrdreg $0xFFFFFFFF  }
0xad: {  	[dreg:$0x0] =	wrdreg $0x60  }
0xae: {  	[dreg:$0x2] =	wrdreg s2  }
0xaf: {  	[dreg:$0x3] =	wrdreg s24  }
0xb0: {  	[dreg:$0x4] =	wrdreg $0x91000  }
0xb1: {  	[dreg:$0x5] =	wrdreg $0x9  }
0xb2: {  	_ =	task.clear_ibuf [dreg:s7], $0x6FFFF;
	_ =	strace $0x90000049  }
0xb3: {  	s29 =	simm.s32 $0x9;
	_ =	strace $0x8000004B  }
0xb4: {  	_ =	swait.ge [sflag:s29], $0x1  }
0xb5: {  	[sflag:s29] =	ssyncadd.s32 $0xFFFFFFFF  }
0xb6: {  	_ =	strace $0x9000004B  }
0xb7: {  	_ =	sfence  }
0xb8: {  	s30 =	sld [smem:$0x0];
	_ =	sdelay $0x2  }
0xb9: {  	s31 =	sshll.u32 s1, $0xD;
	s1 =	sshrl.u32 s1, $0x2  }
0xba: {  	s3 =	sand.u32 $0x4000, s31;
	s1 =	sadd.s32 s1, s30  }
0xbb: {  	s0 =	sor.u32 s3, s0;
	s1 =	sshll.u32 s1, $0x11  }
0xbc: {  	s0 =	sor.u32 s1, s0  }
0xbd: {  	s0 =	sadd.s32 $0x8F2B, s0  }
0xbe: {  	[sflag:s0] =	ssyncadd.remote.s32 $0x1  }
0xbf: {  	_ =	sfence.sel $0xFFFF  }
0xc0: {  	[dreg:$0x0] =	wrdreg $0xFFFFFFFF;
	(pc) =	sbr.abs _section_cstart, $3  }
0xc1: {  	[dreg:$0x1] =	wrdreg $0xFFFFFFFF  }
0xc2: {  	_ =	task.clear_ibuf [dreg:s7], $0x2FFFF;
	_ =	strace $0x9FFFFFFF  }
0xc3: {  	(tm) =	ssettm $0x7FFFFFFF  }
tec
execute0_lowered:
.L_overlay_start_1:
0x0: {  	(tag) =	ssettag $0x1  }
0x1: {  	s1 =	rddreg [dreg:$0x0]  }
0x2: {  	s6 =	rddreg [dreg:$0x1]  }
0x3: {  	s3 =	rddreg [dreg:$0x2]  }
0x4: {  	s0 =	rddreg [dreg:$0x3]  }
0x5: {  	s4 =	simm.s32 $0x0;
	s5 =	srdreg.scid;
	s2 =	stileid.u32  }
0x6: {  	s16 =	simm.s32 $0x7D;
	s17 =	simm.s32 $0x1400;
	s18 =	simm.s32 $0x5280  }
0x7: {  	s19 =	simm.s32 $0x1;
	s20 =	simm.s32 $0x2;
	s21 =	simm.s32 $0x0  }
0x8: {  	[smem:$0x7FF] =	sst s4;
	s7 =	sand.u32 $0x1, s5;
	s8 =	smul.u32 $0x13C00, s2  }
0x9: {  	s12 =	sadd.s32 $0x2C00, s6;
	s5 =	sadd.s32 $0x16E00, s6;
	s26 =	smul.u32 $0x2800, s2  }
0xa: {  	s28 =	sshll.u32 s2, $0x6;
	_ =	strace $0x8000004A;
	s9 =	smul.u32 $0x13C000, s7  }
0xb: {  	s10 =	sshll.u32 s7, $0x4;
	s11 =	ssub.s32 $0x2, s7;
	s14 =	smul.u32 $0x28000, s7  }
0xc: {  	s10 =	sor.u32 s2, s10;
	s13 =	sshrl.u32 s11, $0x1;
	s15 =	sadd.s32 s8, s3  }
0xd: {  	s9 =	sadd.s32 s8, s9;
	s10 =	smul.u32 $0x2800, s10;
	s11 =	ssub.s32 s11, s13  }
0xe: {  	s30 =	sadd.s32 s26, s14;
	s14 =	simm.s32 $0x4;
	s9 =	sshrl.u32 s9, $0x3  }
0xf: {  	s13 =	sadd.s32 $0x50500, s30;
	s9 =	sadd.s32 s9, s6;
	s29 =	sshrl.u32 s10, $0x3  }
0x10: {  	s6 =	sor.u32 $0x1C04, s28;
	s10 =	sor.u32 $0x500, s30;
	s13 =	sshrl.u32 s13, $0x3  }
0x11: {  	s7 =	sadd.s32 s12, s29;
	s9 =	sadd.s32 $0x19600, s9;
	s31 =	sshrl.u32 s10, $0x3  }
0x12: {  	s10 =	smax.u32 s11, $0x1;
	s11 =	sadd.s32 s13, s12;
	s13 =	sshrl.u32 s15, $0x3  }
0x13: {  	s15 =	simm.s32 $0xA00;
	s8 =	sadd.s32 $0xA000, s7;
	s12 =	sadd.s32 s31, s12  }
.LBB2_1:
0x14: {  	[spmem:s13], [sflag:s6] =	dma.local [hbm:s5], $0x2780  }
0x15: {  	_ =	swait.ge [sflag:s14], $0x2780  }
0x16: {  	[sflag:s14] =	ssyncset.done $0x0  }
0x17: {  	[sflag:s14] =	ssyncadd.s32 $0xFFFFD880  }
0x18: {  	[tilespmem:s4], [sflag:$0x4] =	stream.linear.gather [hbm4b:s7+s4], $0x500, $0x38;
	[tilespmem:$0x1CD00] =	vst v63  }
0x19: {  	_ =	swait.ge [sflag:s14], $0x500  }
0x1a: {  	[sflag:s14] =	ssyncset.done $0x0  }
0x1b: {  	[sflag:s14] =	ssyncadd.s32 $0xFFFFFB00  }
0x1c: {  	[tilespmem:s15], [sflag:$0x4] =	stream.linear.gather [hbm4b:s8+s4], $0x500, $0x38;
	[tilespmem:$0x1CD00] =	vst v63  }
0x1d: {  	_ =	swait.ge [sflag:s14], $0x500  }
0x1e: {  	s23 =	sand.u32 $0x1, s4;
	p0 =	por $0x0, $0x0;
	[sflag:s14] =	ssyncset.done $0x0  }
0x1f: {  	s22 =	sxor.u32 @!p0 $0x1, s23;
	[sflag:s14] =	ssyncadd.s32 $0xFFFFFB00  }
0x20: {  	s24 =	smul.u32 @!p0 $0x500, s22;
	[bflag:$0x0] =	sbarrier.arrive $0xFFFF  }
0x21: {  	[tilespmem:s17], [sflag:$0x1] =	stream.indirect.gather [hbm4b:s1+s16], $0x80, s4, s16, $0xb8;
	[tilespmem:$0x1CD00] =	vst v63  }
0x22: {  	s25 =	simm.s32 @!p0 $0x0  }
0x23: {  	[tilespmem:s24], [sflag:$0x3] =	stream.linear.gather @!p0 [hbm4b:s12+s25], $0x500, $0x38;
	[tilespmem:$0x1CD00] =	vst v63  }
0x24: {  	s23 =	smul.u32 $0x500, s23;
	s24 =	sadd.s32 @!p0 $0xA00, s24  }
0x25: {  	[tilespmem:s24], [sflag:$0x3] =	stream.linear.gather @!p0 [hbm4b:s11+s25], $0x500, $0x38;
	[tilespmem:$0x1CD00] =	vst v63  }
0x26: {  	s25 =	sor.u32 $0x80, s23  }
0x27: {  	[tilespmem:s18], [sflag:$0x2] =	stream.indirect.gather [hbm4b:s1+s16], $0x80, s25, s16, $0xb8;
	[tilespmem:$0x1CD00] =	vst v63  }
0x28: {  	_ =	swait.ge [sflag:s19], $0x3E80  }
0x29: {  	[sflag:s19] =	ssyncset.done $0x0  }
0x2a: {  	s26 =	sadd.s32 $0xA00, s23;
	[sflag:s19] =	ssyncadd.s32 $0xFFFFC180  }
0x2b: {  	[spmem:s3] =	stream.indirect.scatter.add.f32 [tilespmem:s17], [sflag:$0x4], $0x80, s26, s16, $0xb8;
	[tilespmem:$0x1CD00] =	vst v63  }
0x2c: {  	_ =	swait.ge [sflag:s14], $0x3E80  }
0x2d: {  	[sflag:s14] =	ssyncset.done $0x0  }
0x2e: {  	s31 =	sadd.s32 $0x100, s23;
	[sflag:s14] =	ssyncadd.s32 $0xFFFFC180  }
0x2f: {  	[tilespmem:s17], [sflag:$0x1] =	stream.indirect.gather [hbm4b:s1+s16], $0x80, s31, s16, $0xb8;
	[tilespmem:$0x1CD00] =	vst v63  }
0x30: {  	_ =	swait.ge [sflag:s20], $0x3E80  }
0x31: {  	[sflag:s20] =	ssyncset.done $0x0  }
0x32: {  	s25 =	sadd.s32 $0xA80, s23;
	[sflag:s20] =	ssyncadd.s32 $0xFFFFC180  }
0x33: {  	[spmem:s3] =	stream.indirect.scatter.add.f32 [tilespmem:s18], [sflag:$0x4], $0x80, s25, s16, $0xb8;
	[tilespmem:$0x1CD00] =	vst v63  }
0x34: {  	_ =	swait.ge [sflag:s14], $0x3E80  }
0x35: {  	[sflag:s14] =	ssyncset.done $0x0  }
0x36: {  	s26 =	sadd.s32 $0x180, s23;
	[sflag:s14] =	ssyncadd.s32 $0xFFFFC180  }
0x37: {  	[tilespmem:s18], [sflag:$0x2] =	stream.indirect.gather [hbm4b:s1+s16], $0x80, s26, s16, $0xb8;
	[tilespmem:$0x1CD00] =	vst v63  }
0x38: {  	_ =	swait.ge [sflag:s19], $0x3E80  }
0x39: {  	[sflag:s19] =	ssyncset.done $0x0  }
0x3a: {  	s31 =	sadd.s32 $0xB00, s23;
	[sflag:s19] =	ssyncadd.s32 $0xFFFFC180  }
0x3b: {  	[spmem:s3] =	stream.indirect.scatter.add.f32 [tilespmem:s17], [sflag:$0x4], $0x80, s31, s16, $0xb8;
	[tilespmem:$0x1CD00] =	vst v63  }
0x3c: {  	_ =	swait.ge [sflag:s14], $0x3E80  }
0x3d: {  	[sflag:s14] =	ssyncset.done $0x0  }
0x3e: {  	s25 =	sadd.s32 $0x200, s23;
	[sflag:s14] =	ssyncadd.s32 $0xFFFFC180  }
0x3f: {  	[tilespmem:s17], [sflag:$0x1] =	stream.indirect.gather [hbm4b:s1+s16], $0x80, s25, s16, $0xb8;
	[tilespmem:$0x1CD00] =	vst v63  }
0x40: {  	_ =	swait.ge [sflag:s20], $0x3E80  }
0x41: {  	[sflag:s20] =	ssyncset.done $0x0  }
0x42: {  	s26 =	sadd.s32 $0xB80, s23;
	[sflag:s20] =	ssyncadd.s32 $0xFFFFC180  }
0x43: {  	[spmem:s3] =	stream.indirect.scatter.add.f32 [tilespmem:s18], [sflag:$0x4], $0x80, s26, s16, $0xb8;
	[tilespmem:$0x1CD00] =	vst v63  }
0x44: {  	_ =	swait.ge [sflag:s14], $0x3E80  }
0x45: {  	[sflag:s14] =	ssyncset.done $0x0  }
0x46: {  	s31 =	sadd.s32 $0x280, s23;
	[sflag:s14] =	ssyncadd.s32 $0xFFFFC180  }
0x47: {  	[tilespmem:s18], [sflag:$0x2] =	stream.indirect.gather [hbm4b:s1+s16], $0x80, s31, s16, $0xb8;
	[tilespmem:$0x1CD00] =	vst v63  }
0x48: {  	_ =	swait.ge [sflag:s19], $0x3E80  }
0x49: {  	[sflag:s19] =	ssyncset.done $0x0  }
0x4a: {  	s25 =	sadd.s32 $0xC00, s23;
	[sflag:s19] =	ssyncadd.s32 $0xFFFFC180  }
0x4b: {  	[spmem:s3] =	stream.indirect.scatter.add.f32 [tilespmem:s17], [sflag:$0x4], $0x80, s25, s16, $0xb8;
	[tilespmem:$0x1CD00] =	vst v63  }
0x4c: {  	_ =	swait.ge [sflag:s14], $0x3E80  }
0x4d: {  	[sflag:s14] =	ssyncset.done $0x0  }
0x4e: {  	s26 =	sadd.s32 $0x300, s23;
	[sflag:s14] =	ssyncadd.s32 $0xFFFFC180  }
0x4f: {  	[tilespmem:s17], [sflag:$0x1] =	stream.indirect.gather [hbm4b:s1+s16], $0x80, s26, s16, $0xb8;
	[tilespmem:$0x1CD00] =	vst v63  }
0x50: {  	_ =	swait.ge [sflag:s20], $0x3E80  }
0x51: {  	[sflag:s20] =	ssyncset.done $0x0  }
0x52: {  	s31 =	sadd.s32 $0xC80, s23;
	[sflag:s20] =	ssyncadd.s32 $0xFFFFC180  }
0x53: {  	[spmem:s3] =	stream.indirect.scatter.add.f32 [tilespmem:s18], [sflag:$0x4], $0x80, s31, s16, $0xb8;
	[tilespmem:$0x1CD00] =	vst v63  }
0x54: {  	_ =	swait.ge [sflag:s14], $0x3E80  }
0x55: {  	[sflag:s14] =	ssyncset.done $0x0  }
0x56: {  	s25 =	sadd.s32 $0x380, s23;
	[sflag:s14] =	ssyncadd.s32 $0xFFFFC180  }
0x57: {  	[tilespmem:s18], [sflag:$0x2] =	stream.indirect.gather [hbm4b:s1+s16], $0x80, s25, s16, $0xb8;
	[tilespmem:$0x1CD00] =	vst v63  }
0x58: {  	_ =	swait.ge [sflag:s19], $0x3E80  }
0x59: {  	[sflag:s19] =	ssyncset.done $0x0  }
0x5a: {  	s26 =	sadd.s32 $0xD00, s23;
	[sflag:s19] =	ssyncadd.s32 $0xFFFFC180  }
0x5b: {  	[spmem:s3] =	stream.indirect.scatter.add.f32 [tilespmem:s17], [sflag:$0x4], $0x80, s26, s16, $0xb8;
	[tilespmem:$0x1CD00] =	vst v63  }
0x5c: {  	_ =	swait.ge [sflag:s14], $0x3E80  }
0x5d: {  	[sflag:s14] =	ssyncset.done $0x0  }
0x5e: {  	s31 =	sadd.s32 $0x400, s23;
	[sflag:s14] =	ssyncadd.s32 $0xFFFFC180  }
0x5f: {  	[tilespmem:s17], [sflag:$0x1] =	stream.indirect.gather [hbm4b:s1+s16], $0x80, s31, s16, $0xb8;
	[tilespmem:$0x1CD00] =	vst v63  }
0x60: {  	_ =	swait.ge [sflag:s20], $0x3E80  }
0x61: {  	[sflag:s20] =	ssyncset.done $0x0  }
0x62: {  	s25 =	sadd.s32 $0xD80, s23;
	[sflag:s20] =	ssyncadd.s32 $0xFFFFC180  }
0x63: {  	[spmem:s3] =	stream.indirect.scatter.add.f32 [tilespmem:s18], [sflag:$0x4], $0x80, s25, s16, $0xb8;
	[tilespmem:$0x1CD00] =	vst v63  }
0x64: {  	_ =	swait.ge [sflag:s14], $0x3E80  }
0x65: {  	[sflag:s14] =	ssyncset.done $0x0  }
0x66: {  	s26 =	sadd.s32 $0x480, s23;
	[sflag:s14] =	ssyncadd.s32 $0xFFFFC180  }
0x67: {  	[tilespmem:s18], [sflag:$0x2] =	stream.indirect.gather [hbm4b:s1+s16], $0x80, s26, s16, $0xb8;
	[tilespmem:$0x1CD00] =	vst v63  }
0x68: {  	_ =	swait.ge [sflag:s19], $0x3E80  }
0x69: {  	[sflag:s19] =	ssyncset.done $0x0  }
0x6a: {  	s23 =	sadd.s32 $0xE00, s23;
	[sflag:s19] =	ssyncadd.s32 $0xFFFFC180  }
0x6b: {  	[spmem:s3] =	stream.indirect.scatter.add.f32 [tilespmem:s17], [sflag:$0x4], $0x80, s23, s16, $0xb8;
	[tilespmem:$0x1CD00] =	vst v63  }
0x6c: {  	_ =	swait.ge [sflag:s14], $0x3E80  }
0x6d: {  	[sflag:s14] =	ssyncset.done $0x0  }
0x6e: {  	s23 =	simm.s32 @!p0 $0x3;
	[sflag:s14] =	ssyncadd.s32 $0xFFFFC180  }
0x6f: {  	_ =	swait.ge @!p0 [sflag:s23], $0x500  }
0x70: {  	s22 =	smul.u32 @!p0 $0x1400, s22;
	[sflag:s23] =	ssyncset.done @!p0 $0x0  }
0x71: {  	[sflag:s23] =	ssyncadd.s32 @!p0 $0xFFFFFB00  }
0x72: {  	s22 =	simm.s32 @p0 $0x0;
	_ =	swait.ge @!p0 [sflag:s23], $0x500  }
0x73: {  	s22 =	sshrl.u32 @!p0 s22, $0x2;
	[sflag:s23] =	ssyncset.done @!p0 $0x0  }
0x74: {  	s25 =	simm.s32 @!p0 $0x1400;
	[sflag:s23] =	ssyncadd.s32 @!p0 $0xFFFFFB00;
	s23 =	simm.s32 @!p0 $0x7D  }
0x75: {  	[tilespmem:s25], [sflag:$0x1] =	stream.indirect.gather @!p0 [hbm4b:s1+s23], $0x80, s22, s23, $0xb8;
	[tilespmem:$0x1CD00] =	vst v63  }
0x76: {  	s24 =	sadd.s32 $0xA00, s26;
	s31 =	simm.s32 $0x1;
	_ =	swait.ge [sflag:s20], $0x3E80  }
0x77: {  	s28 =	sand.u32 $0x1, s31;
	s23 =	simm.s32 $0x2;
	[sflag:s20] =	ssyncset.done $0x0  }
0x78: {  	s22 =	sadd.s32 $0xA0, s12;
	p0 =	por $0x0, $0x0;
	[sflag:s20] =	ssyncadd.s32 $0xFFFFC180  }
0x79: {  	[spmem:s3] =	stream.indirect.scatter.add.f32 [tilespmem:s18], [sflag:$0x4], $0x80, s24, s16, $0xb8;
	[tilespmem:$0x1CD00] =	vst v63  }
0x7a: {  	s25 =	sxor.u32 @!p0 $0x1, s28;
	s29 =	simm.s32 @!p0 $0x0;
	_ =	swait.ge [sflag:s14], $0x3E80  }
0x7b: {  	s30 =	smul.u32 @!p0 $0x500, s25;
	s24 =	sadd.s32 $0xA0, s11;
	[sflag:s14] =	ssyncset.done $0x0  }
.LBB2_2:
0x7c: {  	s26 =	smul.u32 @!p0 $0x1400, s25  }
0x7d: {  	[sflag:s14] =	ssyncadd.s32 $0xFFFFC180;
	s25 =	smov.u32 s23;
	s23 =	sadd.s32 $0x1, s23  }
0x7e: {  	[tilespmem:s30], [sflag:$0x3] =	stream.linear.gather @!p0 [hbm4b:s22+s29], $0x500, $0x38;
	[tilespmem:$0x1CD00] =	vst v63  }
0x7f: {  	s28 =	smul.u32 $0x500, s28;
	s30 =	sadd.s32 @!p0 $0xA00, s30;
	s26 =	simm.s32 @p0 $0x0  }
0x80: {  	[tilespmem:s30], [sflag:$0x3] =	stream.linear.gather @!p0 [hbm4b:s24+s29], $0x500, $0x38;
	[tilespmem:$0x1CD00] =	vst v63  }
0x81: {  	p1 =	sne.s32 s23, $0x8;
	s29 =	sor.u32 $0x80, s28  }
0x82: {  	[tilespmem:s18], [sflag:$0x2] =	stream.indirect.gather [hbm4b:s1+s16], $0x80, s29, s16, $0xb8;
	[tilespmem:$0x1CD00] =	vst v63  }
0x83: {  	_ =	swait.ge [sflag:s19], $0x3E80  }
0x84: {  	[sflag:s19] =	ssyncset.done $0x0  }
0x85: {  	s29 =	sadd.s32 $0xA00, s28;
	[sflag:s19] =	ssyncadd.s32 $0xFFFFC180  }
0x86: {  	[spmem:s3] =	stream.indirect.scatter.add.f32 [tilespmem:s17], [sflag:$0x4], $0x80, s29, s16, $0xb8;
	[tilespmem:$0x1CD00] =	vst v63  }
0x87: {  	_ =	swait.ge [sflag:s14], $0x3E80  }
0x88: {  	[sflag:s14] =	ssyncset.done $0x0  }
0x89: {  	s29 =	sadd.s32 $0x100, s28;
	[sflag:s14] =	ssyncadd.s32 $0xFFFFC180  }
0x8a: {  	[tilespmem:s17], [sflag:$0x1] =	stream.indirect.gather [hbm4b:s1+s16], $0x80, s29, s16, $0xb8;
	[tilespmem:$0x1CD00] =	vst v63  }
0x8b: {  	_ =	swait.ge [sflag:s20], $0x3E80  }
0x8c: {  	[sflag:s20] =	ssyncset.done $0x0  }
0x8d: {  	s29 =	sadd.s32 $0xA80, s28;
	[sflag:s20] =	ssyncadd.s32 $0xFFFFC180  }
0x8e: {  	[spmem:s3] =	stream.indirect.scatter.add.f32 [tilespmem:s18], [sflag:$0x4], $0x80, s29, s16, $0xb8;
	[tilespmem:$0x1CD00] =	vst v63  }
0x8f: {  	_ =	swait.ge [sflag:s14], $0x3E80  }
0x90: {  	[sflag:s14] =	ssyncset.done $0x0  }
0x91: {  	s29 =	sadd.s32 $0x180, s28;
	[sflag:s14] =	ssyncadd.s32 $0xFFFFC180  }
0x92: {  	[tilespmem:s18], [sflag:$0x2] =	stream.indirect.gather [hbm4b:s1+s16], $0x80, s29, s16, $0xb8;
	[tilespmem:$0x1CD00] =	vst v63  }
0x93: {  	_ =	swait.ge [sflag:s19], $0x3E80  }
0x94: {  	[sflag:s19] =	ssyncset.done $0x0  }
0x95: {  	s29 =	sadd.s32 $0xB00, s28;
	[sflag:s19] =	ssyncadd.s32 $0xFFFFC180  }
0x96: {  	[spmem:s3] =	stream.indirect.scatter.add.f32 [tilespmem:s17], [sflag:$0x4], $0x80, s29, s16, $0xb8;
	[tilespmem:$0x1CD00] =	vst v63  }
0x97: {  	_ =	swait.ge [sflag:s14], $0x3E80  }
0x98: {  	[sflag:s14] =	ssyncset.done $0x0  }
0x99: {  	s29 =	sadd.s32 $0x200, s28;
	[sflag:s14] =	ssyncadd.s32 $0xFFFFC180  }
0x9a: {  	[tilespmem:s17], [sflag:$0x1] =	stream.indirect.gather [hbm4b:s1+s16], $0x80, s29, s16, $0xb8;
	[tilespmem:$0x1CD00] =	vst v63  }
0x9b: {  	_ =	swait.ge [sflag:s20], $0x3E80  }
0x9c: {  	[sflag:s20] =	ssyncset.done $0x0  }
0x9d: {  	s29 =	sadd.s32 $0xB80, s28;
	[sflag:s20] =	ssyncadd.s32 $0xFFFFC180  }
0x9e: {  	[spmem:s3] =	stream.indirect.scatter.add.f32 [tilespmem:s18], [sflag:$0x4], $0x80, s29, s16, $0xb8;
	[tilespmem:$0x1CD00] =	vst v63  }
0x9f: {  	_ =	swait.ge [sflag:s14], $0x3E80  }
0xa0: {  	[sflag:s14] =	ssyncset.done $0x0  }
0xa1: {  	s29 =	sadd.s32 $0x280, s28;
	[sflag:s14] =	ssyncadd.s32 $0xFFFFC180  }
0xa2: {  	[tilespmem:s18], [sflag:$0x2] =	stream.indirect.gather [hbm4b:s1+s16], $0x80, s29, s16, $0xb8;
	[tilespmem:$0x1CD00] =	vst v63  }
0xa3: {  	_ =	swait.ge [sflag:s19], $0x3E80  }
0xa4: {  	[sflag:s19] =	ssyncset.done $0x0  }
0xa5: {  	s29 =	sadd.s32 $0xC00, s28;
	[sflag:s19] =	ssyncadd.s32 $0xFFFFC180  }
0xa6: {  	[spmem:s3] =	stream.indirect.scatter.add.f32 [tilespmem:s17], [sflag:$0x4], $0x80, s29, s16, $0xb8;
	[tilespmem:$0x1CD00] =	vst v63  }
0xa7: {  	_ =	swait.ge [sflag:s14], $0x3E80  }
0xa8: {  	[sflag:s14] =	ssyncset.done $0x0  }
0xa9: {  	s29 =	sadd.s32 $0x300, s28;
	[sflag:s14] =	ssyncadd.s32 $0xFFFFC180  }
0xaa: {  	[tilespmem:s17], [sflag:$0x1] =	stream.indirect.gather [hbm4b:s1+s16], $0x80, s29, s16, $0xb8;
	[tilespmem:$0x1CD00] =	vst v63  }
0xab: {  	_ =	swait.ge [sflag:s20], $0x3E80  }
0xac: {  	[sflag:s20] =	ssyncset.done $0x0  }
0xad: {  	s29 =	sadd.s32 $0xC80, s28;
	[sflag:s20] =	ssyncadd.s32 $0xFFFFC180  }
0xae: {  	[spmem:s3] =	stream.indirect.scatter.add.f32 [tilespmem:s18], [sflag:$0x4], $0x80, s29, s16, $0xb8;
	[tilespmem:$0x1CD00] =	vst v63  }
0xaf: {  	_ =	swait.ge [sflag:s14], $0x3E80  }
0xb0: {  	[sflag:s14] =	ssyncset.done $0x0  }
0xb1: {  	s29 =	sadd.s32 $0x380, s28;
	[sflag:s14] =	ssyncadd.s32 $0xFFFFC180  }
0xb2: {  	[tilespmem:s18], [sflag:$0x2] =	stream.indirect.gather [hbm4b:s1+s16], $0x80, s29, s16, $0xb8;
	[tilespmem:$0x1CD00] =	vst v63  }
0xb3: {  	_ =	swait.ge [sflag:s19], $0x3E80  }
0xb4: {  	[sflag:s19] =	ssyncset.done $0x0  }
0xb5: {  	s29 =	sadd.s32 $0xD00, s28;
	[sflag:s19] =	ssyncadd.s32 $0xFFFFC180  }
0xb6: {  	[spmem:s3] =	stream.indirect.scatter.add.f32 [tilespmem:s17], [sflag:$0x4], $0x80, s29, s16, $0xb8;
	[tilespmem:$0x1CD00] =	vst v63  }
0xb7: {  	_ =	swait.ge [sflag:s14], $0x3E80  }
0xb8: {  	[sflag:s14] =	ssyncset.done $0x0  }
0xb9: {  	s29 =	sadd.s32 $0x400, s28;
	[sflag:s14] =	ssyncadd.s32 $0xFFFFC180  }
0xba: {  	[tilespmem:s17], [sflag:$0x1] =	stream.indirect.gather [hbm4b:s1+s16], $0x80, s29, s16, $0xb8;
	[tilespmem:$0x1CD00] =	vst v63  }
0xbb: {  	_ =	swait.ge [sflag:s20], $0x3E80  }
0xbc: {  	[sflag:s20] =	ssyncset.done $0x0  }
0xbd: {  	s29 =	sadd.s32 $0xD80, s28;
	[sflag:s20] =	ssyncadd.s32 $0xFFFFC180  }
0xbe: {  	[spmem:s3] =	stream.indirect.scatter.add.f32 [tilespmem:s18], [sflag:$0x4], $0x80, s29, s16, $0xb8;
	[tilespmem:$0x1CD00] =	vst v63  }
0xbf: {  	_ =	swait.ge [sflag:s14], $0x3E80  }
0xc0: {  	[sflag:s14] =	ssyncset.done $0x0  }
0xc1: {  	s29 =	sadd.s32 $0x480, s28;
	[sflag:s14] =	ssyncadd.s32 $0xFFFFC180  }
0xc2: {  	[tilespmem:s18], [sflag:$0x2] =	stream.indirect.gather [hbm4b:s1+s16], $0x80, s29, s16, $0xb8;
	[tilespmem:$0x1CD00] =	vst v63  }
0xc3: {  	_ =	swait.ge [sflag:s19], $0x3E80  }
0xc4: {  	[sflag:s19] =	ssyncset.done $0x0  }
0xc5: {  	s28 =	sadd.s32 $0xE00, s28;
	[sflag:s19] =	ssyncadd.s32 $0xFFFFC180  }
0xc6: {  	[spmem:s3] =	stream.indirect.scatter.add.f32 [tilespmem:s17], [sflag:$0x4], $0x80, s28, s16, $0xb8;
	[tilespmem:$0x1CD00] =	vst v63  }
0xc7: {  	_ =	swait.ge [sflag:s14], $0x3E80  }
0xc8: {  	[sflag:s14] =	ssyncset.done $0x0  }
0xc9: {  	s28 =	simm.s32 @!p0 $0x3;
	[sflag:s14] =	ssyncadd.s32 $0xFFFFC180  }
0xca: {  	_ =	swait.ge @!p0 [sflag:s28], $0x500  }
0xcb: {  	[sflag:s28] =	ssyncset.done @!p0 $0x0  }
0xcc: {  	[sflag:s28] =	ssyncadd.s32 @!p0 $0xFFFFFB00  }
0xcd: {  	_ =	swait.ge @!p0 [sflag:s28], $0x500  }
0xce: {  	s30 =	simm.s32 @!p0 $0x1400;
	[sflag:s28] =	ssyncset.done @!p0 $0x0  }
0xcf: {  	s26 =	sshrl.u32 @!p0 s26, $0x2;
	[sflag:s28] =	ssyncadd.s32 @!p0 $0xFFFFFB00;
	s28 =	simm.s32 @!p0 $0x7D  }
0xd0: {  	[tilespmem:s30], [sflag:$0x1] =	stream.indirect.gather @!p0 [hbm4b:s1+s28], $0x80, s26, s28, $0xb8;
	[tilespmem:$0x1CD00] =	vst v63  }
0xd1: {  	s22 =	sadd.s32 $0xA0, s22;
	_ =	swait.ge [sflag:s20], $0x3E80  }
.Ltmp0:
0xd2: {  	s26 =	sadd.s32 $0xA00, s29;
	[sflag:s20] =	ssyncset.done $0x0;
	(pc) =	sbr.rel @p1 .LBB2_2-.Ltmp0, $4  }
0xd3: {  	s28 =	sand.u32 $0x1, s25;
	p0 =	seq.s32 s25, $0x7;
	[sflag:s20] =	ssyncadd.s32 $0xFFFFC180  }
0xd4: {  	[spmem:s3] =	stream.indirect.scatter.add.f32 [tilespmem:s18], [sflag:$0x4], $0x80, s26, s16, $0xb8;
	[tilespmem:$0x1CD00] =	vst v63  }
0xd5: {  	s25 =	sxor.u32 @!p0 $0x1, s28;
	s29 =	simm.s32 @!p0 $0x0;
	_ =	swait.ge [sflag:s14], $0x3E80  }
0xd6: {  	s24 =	sadd.s32 $0xA0, s24;
	s30 =	smul.u32 @!p0 $0x500, s25;
	[sflag:s14] =	ssyncset.done $0x0  }
0xd7: {  	[sflag:s14] =	ssyncadd.s32 $0xFFFFC180  }
0xd8: {  	[tilespmem:s30], [sflag:$0x3] =	stream.linear.gather @!p0 [hbm4b:s22+s29], $0x500, $0x38;
	[tilespmem:$0x1CD00] =	vst v63  }
0xd9: {  	s23 =	sadd.s32 @!p0 $0xA00, s30;
	s22 =	smul.u32 $0x500, s28  }
0xda: {  	[tilespmem:s23], [sflag:$0x3] =	stream.linear.gather @!p0 [hbm4b:s24+s29], $0x500, $0x38;
	[tilespmem:$0x1CD00] =	vst v63  }
0xdb: {  	s24 =	sor.u32 $0x80, s22  }
0xdc: {  	[tilespmem:s18], [sflag:$0x2] =	stream.indirect.gather [hbm4b:s1+s16], $0x80, s24, s16, $0xb8;
	[tilespmem:$0x1CD00] =	vst v63  }
0xdd: {  	_ =	swait.ge [sflag:s19], $0x3E80  }
0xde: {  	[sflag:s19] =	ssyncset.done $0x0  }
0xdf: {  	s26 =	sadd.s32 $0xA00, s22;
	[sflag:s19] =	ssyncadd.s32 $0xFFFFC180  }
0xe0: {  	[spmem:s3] =	stream.indirect.scatter.add.f32 [tilespmem:s17], [sflag:$0x4], $0x80, s26, s16, $0xb8;
	[tilespmem:$0x1CD00] =	vst v63  }
0xe1: {  	_ =	swait.ge [sflag:s14], $0x3E80  }
0xe2: {  	[sflag:s14] =	ssyncset.done $0x0  }
0xe3: {  	s28 =	sadd.s32 $0x100, s22;
	[sflag:s14] =	ssyncadd.s32 $0xFFFFC180  }
0xe4: {  	[tilespmem:s17], [sflag:$0x1] =	stream.indirect.gather [hbm4b:s1+s16], $0x80, s28, s16, $0xb8;
	[tilespmem:$0x1CD00] =	vst v63  }
0xe5: {  	_ =	swait.ge [sflag:s20], $0x3E80  }
0xe6: {  	[sflag:s20] =	ssyncset.done $0x0  }
0xe7: {  	s29 =	sadd.s32 $0xA80, s22;
	[sflag:s20] =	ssyncadd.s32 $0xFFFFC180  }
0xe8: {  	[spmem:s3] =	stream.indirect.scatter.add.f32 [tilespmem:s18], [sflag:$0x4], $0x80, s29, s16, $0xb8;
	[tilespmem:$0x1CD00] =	vst v63  }
0xe9: {  	_ =	swait.ge [sflag:s14], $0x3E80  }
0xea: {  	[sflag:s14] =	ssyncset.done $0x0  }
0xeb: {  	s30 =	sadd.s32 $0x180, s22;
	[sflag:s14] =	ssyncadd.s32 $0xFFFFC180  }
0xec: {  	[tilespmem:s18], [sflag:$0x2] =	stream.indirect.gather [hbm4b:s1+s16], $0x80, s30, s16, $0xb8;
	[tilespmem:$0x1CD00] =	vst v63  }
0xed: {  	_ =	swait.ge [sflag:s19], $0x3E80  }
0xee: {  	[sflag:s19] =	ssyncset.done $0x0  }
0xef: {  	s31 =	sadd.s32 $0xB00, s22;
	[sflag:s19] =	ssyncadd.s32 $0xFFFFC180  }
0xf0: {  	[spmem:s3] =	stream.indirect.scatter.add.f32 [tilespmem:s17], [sflag:$0x4], $0x80, s31, s16, $0xb8;
	[tilespmem:$0x1CD00] =	vst v63  }
0xf1: {  	_ =	swait.ge [sflag:s14], $0x3E80  }
0xf2: {  	[sflag:s14] =	ssyncset.done $0x0  }
0xf3: {  	s24 =	sadd.s32 $0x200, s22;
	[sflag:s14] =	ssyncadd.s32 $0xFFFFC180  }
0xf4: {  	[tilespmem:s17], [sflag:$0x1] =	stream.indirect.gather [hbm4b:s1+s16], $0x80, s24, s16, $0xb8;
	[tilespmem:$0x1CD00] =	vst v63  }
0xf5: {  	_ =	swait.ge [sflag:s20], $0x3E80  }
0xf6: {  	[sflag:s20] =	ssyncset.done $0x0  }
0xf7: {  	s26 =	sadd.s32 $0xB80, s22;
	[sflag:s20] =	ssyncadd.s32 $0xFFFFC180  }
0xf8: {  	[spmem:s3] =	stream.indirect.scatter.add.f32 [tilespmem:s18], [sflag:$0x4], $0x80, s26, s16, $0xb8;
	[tilespmem:$0x1CD00] =	vst v63  }
0xf9: {  	_ =	swait.ge [sflag:s14], $0x3E80  }
0xfa: {  	[sflag:s14] =	ssyncset.done $0x0  }
0xfb: {  	s28 =	sadd.s32 $0x280, s22;
	[sflag:s14] =	ssyncadd.s32 $0xFFFFC180  }
0xfc: {  	[tilespmem:s18], [sflag:$0x2] =	stream.indirect.gather [hbm4b:s1+s16], $0x80, s28, s16, $0xb8;
	[tilespmem:$0x1CD00] =	vst v63  }
0xfd: {  	_ =	swait.ge [sflag:s19], $0x3E80  }
0xfe: {  	[sflag:s19] =	ssyncset.done $0x0  }
0xff: {  	s29 =	sadd.s32 $0xC00, s22;
	[sflag:s19] =	ssyncadd.s32 $0xFFFFC180  }
0x100: {  	[spmem:s3] =	stream.indirect.scatter.add.f32 [tilespmem:s17], [sflag:$0x4], $0x80, s29, s16, $0xb8;
	[tilespmem:$0x1CD00] =	vst v63  }
0x101: {  	_ =	swait.ge [sflag:s14], $0x3E80  }
0x102: {  	[sflag:s14] =	ssyncset.done $0x0  }
0x103: {  	s30 =	sadd.s32 $0x300, s22;
	[sflag:s14] =	ssyncadd.s32 $0xFFFFC180  }
0x104: {  	[tilespmem:s17], [sflag:$0x1] =	stream.indirect.gather [hbm4b:s1+s16], $0x80, s30, s16, $0xb8;
	[tilespmem:$0x1CD00] =	vst v63  }
0x105: {  	_ =	swait.ge [sflag:s20], $0x3E80  }
0x106: {  	[sflag:s20] =	ssyncset.done $0x0  }
0x107: {  	s31 =	sadd.s32 $0xC80, s22;
	[sflag:s20] =	ssyncadd.s32 $0xFFFFC180  }
0x108: {  	[spmem:s3] =	stream.indirect.scatter.add.f32 [tilespmem:s18], [sflag:$0x4], $0x80, s31, s16, $0xb8;
	[tilespmem:$0x1CD00] =	vst v63  }
0x109: {  	_ =	swait.ge [sflag:s14], $0x3E80  }
0x10a: {  	[sflag:s14] =	ssyncset.done $0x0  }
0x10b: {  	s24 =	sadd.s32 $0x380, s22;
	[sflag:s14] =	ssyncadd.s32 $0xFFFFC180  }
0x10c: {  	[tilespmem:s18], [sflag:$0x2] =	stream.indirect.gather [hbm4b:s1+s16], $0x80, s24, s16, $0xb8;
	[tilespmem:$0x1CD00] =	vst v63  }
0x10d: {  	_ =	swait.ge [sflag:s19], $0x3E80  }
0x10e: {  	[sflag:s19] =	ssyncset.done $0x0  }
0x10f: {  	s26 =	sadd.s32 $0xD00, s22;
	[sflag:s19] =	ssyncadd.s32 $0xFFFFC180  }
0x110: {  	[spmem:s3] =	stream.indirect.scatter.add.f32 [tilespmem:s17], [sflag:$0x4], $0x80, s26, s16, $0xb8;
	[tilespmem:$0x1CD00] =	vst v63  }
0x111: {  	_ =	swait.ge [sflag:s14], $0x3E80  }
0x112: {  	[sflag:s14] =	ssyncset.done $0x0  }
0x113: {  	s28 =	sadd.s32 $0x400, s22;
	[sflag:s14] =	ssyncadd.s32 $0xFFFFC180  }
0x114: {  	[tilespmem:s17], [sflag:$0x1] =	stream.indirect.gather [hbm4b:s1+s16], $0x80, s28, s16, $0xb8;
	[tilespmem:$0x1CD00] =	vst v63  }
0x115: {  	_ =	swait.ge [sflag:s20], $0x3E80  }
0x116: {  	[sflag:s20] =	ssyncset.done $0x0  }
0x117: {  	s29 =	sadd.s32 $0xD80, s22;
	[sflag:s20] =	ssyncadd.s32 $0xFFFFC180  }
0x118: {  	[spmem:s3] =	stream.indirect.scatter.add.f32 [tilespmem:s18], [sflag:$0x4], $0x80, s29, s16, $0xb8;
	[tilespmem:$0x1CD00] =	vst v63  }
0x119: {  	_ =	swait.ge [sflag:s14], $0x3E80  }
0x11a: {  	[sflag:s14] =	ssyncset.done $0x0  }
0x11b: {  	s30 =	sadd.s32 $0x480, s22;
	[sflag:s14] =	ssyncadd.s32 $0xFFFFC180  }
0x11c: {  	[tilespmem:s18], [sflag:$0x2] =	stream.indirect.gather [hbm4b:s1+s16], $0x80, s30, s16, $0xb8;
	[tilespmem:$0x1CD00] =	vst v63  }
0x11d: {  	_ =	swait.ge [sflag:s19], $0x3E80  }
0x11e: {  	[sflag:s19] =	ssyncset.done $0x0  }
0x11f: {  	s22 =	sadd.s32 $0xE00, s22;
	[sflag:s19] =	ssyncadd.s32 $0xFFFFC180  }
0x120: {  	[spmem:s3] =	stream.indirect.scatter.add.f32 [tilespmem:s17], [sflag:$0x4], $0x80, s22, s16, $0xb8;
	[tilespmem:$0x1CD00] =	vst v63  }
0x121: {  	_ =	swait.ge [sflag:s14], $0x3E80  }
0x122: {  	[sflag:s14] =	ssyncset.done $0x0  }
0x123: {  	s22 =	simm.s32 @!p0 $0x3;
	[sflag:s14] =	ssyncadd.s32 $0xFFFFC180  }
0x124: {  	_ =	swait.ge @!p0 [sflag:s22], $0x500  }
0x125: {  	[sflag:s22] =	ssyncset.done @!p0 $0x0  }
0x126: {  	s24 =	smul.u32 @!p0 $0x1400, s25;
	[sflag:s22] =	ssyncadd.s32 @!p0 $0xFFFFFB00  }
0x127: {  	_ =	swait.ge @!p0 [sflag:s22], $0x500  }
0x128: {  	s25 =	simm.s32 @!p0 $0x1400;
	s24 =	simm.s32 @p0 $0x0;
	[sflag:s22] =	ssyncset.done @!p0 $0x0  }
0x129: {  	s24 =	sshrl.u32 @!p0 s24, $0x2;
	[sflag:s22] =	ssyncadd.s32 @!p0 $0xFFFFFB00;
	s22 =	simm.s32 @!p0 $0x7D  }
0x12a: {  	[tilespmem:s25], [sflag:$0x1] =	stream.indirect.gather @!p0 [hbm4b:s1+s22], $0x80, s24, s22, $0xb8;
	[tilespmem:$0x1CD00] =	vst v63  }
0x12b: {  	_ =	swait.ge [sflag:s20], $0x3E80  }
0x12c: {  	[sflag:s20] =	ssyncset.done $0x0  }
0x12d: {  	s31 =	sadd.s32 $0xA00, s30;
	[sflag:s20] =	ssyncadd.s32 $0xFFFFC180  }
0x12e: {  	[spmem:s3] =	stream.indirect.scatter.add.f32 [tilespmem:s18], [sflag:$0x4], $0x80, s31, s16, $0xb8;
	[tilespmem:$0x1CD00] =	vst v63  }
0x12f: {  	_ =	swait.ge [sflag:s14], $0x3E80  }
0x130: {  	s21 =	sadd.s32 $0x1, s21;
	[sflag:s14] =	ssyncset.done $0x0  }
0x131: {  	p0 =	sne.s32 s21, s10;
	[sflag:s14] =	ssyncadd.s32 $0xFFFFC180  }
.Ltmp1:
0x132: {  	[bflag:$0x0] =	sbarrier.arrive $0xFFFF;
	(pc) =	sbr.rel @p0 .LBB2_1-.Ltmp1, $4  }
0x133: {  	[hbm:s9], [sflag:s6] =	dma.local [spmem:s13], $0x2780  }
0x134: {  	_ =	swait.ge [sflag:s14], $0x2780  }
0x135: {  	[sflag:s14] =	ssyncset.done $0x0  }
0x136: {  	[sflag:s14] =	ssyncadd.s32 $0xFFFFD880  }
0x137: {  	_ =	sfence.sel $0x180000  }
0x138: {  	[bflag:$0x0] =	sbarrier.arrive $0xFFFF  }
0x139: {  	p0 =	sne.s32 s2, $0x0;
	_ =	strace $0x9000004A  }
0x13a: {  	s0 =	sadd.s32 @!p0 $0x100000, s0;
	[bflag:$0x2] =	sbarrier.arrive $0xFFFF  }
0x13b: {  	[sflag:s0] =	ssyncadd.tile.s32 @!p0 $0x1;
	_ =	shalt  }
.Lfunc_end2:
_tile_overlayer_lowered:
.L_overlay_start_2:
0x13c: {  	(tag) =	ssettag $0x2  }
0x13d: {  	s0 =	rddreg [dreg:$0x0];
	s2 =	stileid.u32  }
0x13e: {  	s1 =	rddreg [dreg:$0x1];
	p0 =	sne.s32 s2, $0x0  }
0x13f: {  	s3 =	rddreg [dreg:$0x2];
	[bflag:$0x3] =	sbarrier.arrive $0xFFFF;
	s2 =	simm.s32 @!p0 $0x1C04  }
0x140: {  	[timem:s3], [sflag:s2] =	dma.local @!p0 [hbm:s0], s1  }
0x141: {  	s0 =	simm.s32 @!p0 $0x4  }
0x142: {  	_ =	swait.ge @!p0 [sflag:s0], s1  }
0x143: {  	s1 =	ssub.s32 @!p0 $0x0, s1;
	[sflag:s0] =	ssyncset.done @!p0 $0x0  }
0x144: {  	[sflag:s0] =	ssyncadd.s32 @!p0 s1  }
0x145: {  	[bflag:$0x3] =	sbarrier.arrive $0xFFFF  }
0x146: {  	_ =	shalt  }

</sc_bundles>
